<compile_context>
chip_gen: v7x
topology: tpu7x:2x2x1
jax: 0.10.2.dev20260603
libtpu: 0.0.44.dev20260713+nightly
codegen_flags: <defaults>
</compile_context>

<pallas_src>
import functools

import jax
import jax.numpy as jnp
from jax import lax
from jax.experimental import pallas as pl
from jax.experimental.pallas import tpu as pltpu
from jax.experimental.pallas import tpu_sc as plsc

N_NODES = 10000
N_EDGES = 320000
D = 128
EPS = 1e-5

NC = 2
NS = 16
NW = NC * NS
CHUNK = 128
CPT = 79
E_PAD = NW * CPT * CHUNK
N_ACC = 10016
DUMMY = 10000
RPT = 624
RSPAN = 640
DROWS = 80
LANES = 16


def _sc_segment_sum(feature, src_flat, dst_flat):
    mesh = plsc.VectorSubcoreMesh(core_axis_name="c", subcore_axis_name="s",
                                  num_cores=NC, num_subcores=NS)

    @functools.partial(
        pl.kernel,
        out_type=(
            jax.ShapeDtypeStruct((NC, N_NODES, D), jnp.float32),
            jax.ShapeDtypeStruct((NW, DROWS, D), jnp.float32),
        ),
        mesh=mesh,
        scratch_types=[
            pltpu.VMEM_SHARED((N_ACC, D), jnp.float32),
            pltpu.VMEM((2, CHUNK), jnp.int32),
            pltpu.VMEM((2, CHUNK), jnp.int32),
            pltpu.VMEM((CHUNK, D), jnp.float32),
            pltpu.VMEM((CHUNK, D), jnp.float32),
            pltpu.VMEM((DROWS, D), jnp.float32),
            pltpu.SemaphoreType.DMA,
            pltpu.SemaphoreType.DMA,
            pltpu.SemaphoreType.DMA,
            pltpu.SemaphoreType.DMA,
        ],
        compiler_params=pltpu.CompilerParams(needs_layout_passes=False),
    )
    def k(feat_hbm, src_hbm, dst_hbm, s_out, deg_out,
          acc_sh, sidx, didx, rows0, rows1, deg2d, gsem0, gsem1,
          isem0, isem1):
        cid = lax.axis_index("c")
        sid = lax.axis_index("s")
        slab = cid * NS + sid

        zv = jnp.zeros((LANES,), jnp.float32)

        def fill_body(i, _):
            for kk in range(D // LANES):
                rows0[i, pl.ds(kk * LANES, LANES)] = zv
            return 0

        lax.fori_loop(0, CHUNK, fill_body, 0)

        def dfill_body(i, _):
            for kk in range(D // LANES):
                deg2d[i, pl.ds(kk * LANES, LANES)] = zv
            return 0

        lax.fori_loop(0, DROWS, dfill_body, 0)

        for r in range(5):
            pltpu.sync_copy(rows0, acc_sh.at[pl.ds(sid * RPT + r * CHUNK,
                                                   CHUNK)])

        @pl.when(sid == 0)
        def _():
            pltpu.sync_copy(rows0.at[pl.ds(0, N_ACC - N_NODES)],
                            acc_sh.at[pl.ds(N_NODES, N_ACC - N_NODES)])

        plsc.subcore_barrier()

        def load_idx(c, b, isem):
            base = (slab * CPT + c) * CHUNK
            pltpu.async_copy(src_hbm.at[pl.ds(base, CHUNK)], sidx.at[b],
                             isem)
            pltpu.async_copy(dst_hbm.at[pl.ds(base, CHUNK)], didx.at[b],
                             isem)

        def wait_idx(c, b, isem):
            base = (slab * CPT + c) * CHUNK
            pltpu.make_async_copy(src_hbm.at[pl.ds(base, CHUNK)],
                                  sidx.at[b], isem).wait()
            pltpu.make_async_copy(dst_hbm.at[pl.ds(base, CHUNK)],
                                  didx.at[b], isem).wait()

        def hist(b):
            for kk in range(CHUNK // LANES):
                dv = didx[b, pl.ds(kk * LANES, LANES)]
                cnt, last = plsc.scan_count(dv)
                plsc.addupdate_scatter(
                    deg2d,
                    [lax.shift_right_logical(dv, 7),
                     jnp.bitwise_and(dv, 127)],
                    cnt.astype(jnp.float32), mask=last)

        load_idx(0, 0, isem0)
        wait_idx(0, 0, isem0)
        pltpu.async_copy(feat_hbm.at[sidx.at[0]], rows0, gsem0)
        load_idx(1, 1, isem1)

        def pair_body(p, _):
            c0 = 2 * p
            pltpu.make_async_copy(feat_hbm.at[sidx.at[0]], rows0,
                                  gsem0).wait()
            wait_idx(c0 + 1, 1, isem1)
            pltpu.async_copy(feat_hbm.at[sidx.at[1]], rows1, gsem1)
            pltpu.sync_copy(rows0, acc_sh.at[didx.at[0]], add=True)
            hist(0)
            load_idx(c0 + 2, 0, isem0)
            pltpu.make_async_copy(feat_hbm.at[sidx.at[1]], rows1,
                                  gsem1).wait()
            wait_idx(c0 + 2, 0, isem0)
            pltpu.async_copy(feat_hbm.at[sidx.at[0]], rows0, gsem0)
            pltpu.sync_copy(rows1, acc_sh.at[didx.at[1]], add=True)
            hist(1)

            @pl.when(p < (CPT - 1) // 2 - 1)
            def _():
                load_idx(c0 + 3, 1, isem1)

            return 0

        lax.fori_loop(0, (CPT - 1) // 2, pair_body, 0)

        pltpu.make_async_copy(feat_hbm.at[sidx.at[0]], rows0, gsem0).wait()
        pltpu.sync_copy(rows0, acc_sh.at[didx.at[0]], add=True)
        hist(0)

        plsc.subcore_barrier()

        pltpu.sync_copy(acc_sh.at[pl.ds(sid * RPT, RSPAN)],
                        s_out.at[cid, pl.ds(sid * RPT, RSPAN)])
        pltpu.sync_copy(deg2d, deg_out.at[slab])

    return k(feature, src_flat, dst_flat)


def _tc_body(feat_ref, s_ref, deg_ref, snorm_ref, w_ref, b_ref, g_ref,
             be_ref, out_ref):
    f = feat_ref[...]
    s = s_ref[0] + s_ref[1]
    deg = jnp.sum(deg_ref[...], axis=1, keepdims=True)
    agg = jnp.where(deg > 0.0, s / jnp.maximum(deg, 1.0), f)
    h = lax.dot_general(agg, w_ref[...], (((1,), (1,)), ((), ())),
                        preferred_element_type=jnp.float32)
    h = (h + b_ref[...]) * snorm_ref[...]
    mean = jnp.mean(h, axis=0, keepdims=True)
    var = jnp.mean((h - mean) ** 2, axis=0, keepdims=True)
    h = (h - mean) * lax.rsqrt(var + EPS) * g_ref[...] + be_ref[...]
    out_ref[...] = f + jnp.maximum(h, 0.0)


def kernel(feature, edge_index, snorm_n, W, b, gamma, beta):
    npad = E_PAD - N_EDGES
    src_flat = jnp.concatenate([edge_index[0],
                                jnp.zeros((npad,), jnp.int32)])
    dst_flat = jnp.concatenate([edge_index[1],
                                jnp.full((npad,), DUMMY, jnp.int32)])
    s_part, deg_hist = _sc_segment_sum(feature, src_flat, dst_flat)
    deg_t = deg_hist.reshape(NW, DROWS * D)[:, :N_NODES].T
    out = pl.pallas_call(
        _tc_body,
        out_shape=jax.ShapeDtypeStruct((N_NODES, D), jnp.float32),
        compiler_params=pltpu.CompilerParams(
            vmem_limit_bytes=100 * 1024 * 1024),
    )(feature, s_part, deg_t, snorm_n,
      W, b.reshape(1, D), gamma.reshape(1, D), beta.reshape(1, D))
    return out

# --- scband reference (transcript-rebuilt; emitter-appended) ---
"""Pipeline reference for scband-gcnlayer-17480516894879 (READ-ONLY COPY).

The authoritative reference and input builder live on the scoring server;
editing this copy changes nothing except your own understanding.
"""

import jax, jax.numpy as jnp
import numpy as np

N_NODES = 10000
N_EDGES = 320000
D = 128
EPS = 1e-5

def setup_inputs(seed: int = 0) -> dict:
    key = jax.random.key(seed)
    k1, k2, k3, k4, k5 = jax.random.split(key, 5)
    feature = jax.random.normal(k1, (N_NODES, D), dtype=jnp.float32)
    edge_index = jax.random.randint(k2, (2, N_EDGES), 0, N_NODES, dtype=jnp.int32)
    snorm_n = jax.random.uniform(k3, (N_NODES, 1), dtype=jnp.float32)
    W = jax.random.normal(k4, (D, D), dtype=jnp.float32) * 0.05
    b = jnp.zeros((D,), dtype=jnp.float32)
    gamma = jnp.ones((D,), dtype=jnp.float32)
    beta = jnp.zeros((D,), dtype=jnp.float32)
    return {"feature": feature, "edge_index": edge_index, "snorm_n": snorm_n,
            "W": W, "b": b, "gamma": gamma, "beta": beta}

def reference(feature, edge_index, snorm_n, W, b, gamma, beta):
    n = feature.shape[0]
    src = edge_index[0]
    dst = edge_index[1]
    # message: copy src features; reduce: mean over mailbox at dst
    m = jnp.take(feature, src, axis=0)
    s = jax.ops.segment_sum(m, dst, num_segments=n)
    deg = jax.ops.segment_sum(jnp.ones((m.shape[0],), dtype=jnp.float32), dst, num_segments=n)
    agg = jnp.where(deg[:, None] > 0, s / jnp.maximum(deg, 1.0)[:, None], feature)
    # apply_nodes: linear
    h = agg @ W.T + b
    # graph_norm
    h = h * snorm_n
    # batch_norm (training-mode batch statistics, biased variance)
    mean = jnp.mean(h, axis=0)
    var = jnp.var(h, axis=0)
    h = (h - mean) / jnp.sqrt(var + EPS) * gamma + beta
    # activation
    h = jax.nn.relu(h)
    # residual (in_dim == out_dim)
    h = feature + h
    # dropout with p=0.0 is identity
    return h

if __name__ == "__main__":
    import jax
    _d = setup_inputs()
    print(jax.jit(kernel)(*tuple(_d.values())))

</pallas_src>

<mosaic_0001>
#map = affine_map<(d0, d1) -> (0, 0)>
#map1 = affine_map<(d0, d1) -> (0)>
#map2 = affine_map<(d0, d1) -> (0, 0, 0)>
module attributes {stable_mosaic.version = 14 : i64} {
  func.func @k(%arg0: i32, %arg1: i32, %arg2: memref<10000x128xf32, #tpu.memory_space<hbm>>, %arg3: memref<323584xi32, #tpu.memory_space<hbm>>, %arg4: memref<323584xi32, #tpu.memory_space<hbm>>, %arg5: memref<2x10000x128xf32, #tpu.memory_space<hbm>>, %arg6: memref<32x80x128xf32, #tpu.memory_space<hbm>>, %arg7: memref<10016x128xf32, #tpu.memory_space<vmem_shared>>, %arg8: memref<2x128xi32, #tpu.memory_space<vmem>>, %arg9: memref<2x128xi32, #tpu.memory_space<vmem>>, %arg10: memref<128x128xf32, #tpu.memory_space<vmem>>, %arg11: memref<128x128xf32, #tpu.memory_space<vmem>>, %arg12: memref<80x128xf32, #tpu.memory_space<vmem>>, %arg13: memref<!tpu.dma_semaphore, #tpu.memory_space<semaphore_mem>>, %arg14: memref<!tpu.dma_semaphore, #tpu.memory_space<semaphore_mem>>, %arg15: memref<!tpu.dma_semaphore, #tpu.memory_space<semaphore_mem>>, %arg16: memref<!tpu.dma_semaphore, #tpu.memory_space<semaphore_mem>>) attributes {dimension_semantics = [#tpu.dimension_semantics<core_parallel>, #tpu.dimension_semantics<subcore_parallel>], iteration_bounds = array<i64: 2, 16>, scalar_prefetch = 0 : i64, scratch_operands = 10 : i64, tpu.core_type = #tpu.core_type<sc_vector_subcore>, window_params = [{transform_indices = #map}, {transform_indices = #map1}, {transform_indices = #map1}, {transform_indices = #map2}, {transform_indices = #map2}]} {
    %mul3A = arith.constant 16 : i32
    %mul3A_0 = arith.muli %arg0, %mul3A : i32
    %add3A = arith.addi %mul3A_0, %arg1 : i32
    %broadcast_in_dim3A = arith.constant 0.000000e+00 : f32
    %broadcast_in_dim3A_1 = vector.broadcast %broadcast_in_dim3A : f32 to vector<16xf32>
    %scan3A = arith.constant 0 : i32
    %scan3A_2 = arith.constant 0 : i32
    %scan3A_3 = arith.constant 128 : i32
    %scan3A_4 = arith.addi %scan3A_2, %scan3A_3 : i32
    %scan3A_5 = arith.constant 1 : i32
    %scan3A_6 = scf.for %scan3A_249 = %scan3A_2 to %scan3A_4 step %scan3A_5 iter_args(%scan3A_250 = %scan3A) -> (i32)  : i32 {
      %swap3A = arith.index_cast %scan3A_249 : i32 to index
      %swap3A_251 = arith.constant 0 : index
      %swap3A_252 = tpu.vector_load %arg10[%swap3A, %swap3A_251] {strides = array<i32>} : memref<128x128xf32, #tpu.memory_space<vmem>>, vector<16xf32>,
      tpu.vector_store %arg10[%swap3A, %swap3A_251], %broadcast_in_dim3A_1 {strides = array<i32>} : memref<128x128xf32, #tpu.memory_space<vmem>>, vector<16xf32>,
      %swap3A_253 = arith.index_cast %scan3A_249 : i32 to index
      %swap3A_254 = arith.constant 16 : index
      %swap3A_255 = tpu.vector_load %arg10[%swap3A_253, %swap3A_254] {strides = array<i32>} : memref<128x128xf32, #tpu.memory_space<vmem>>, vector<16xf32>,
      tpu.vector_store %arg10[%swap3A_253, %swap3A_254], %broadcast_in_dim3A_1 {strides = array<i32>} : memref<128x128xf32, #tpu.memory_space<vmem>>, vector<16xf32>,
      %swap3A_256 = arith.index_cast %scan3A_249 : i32 to index
      %swap3A_257 = arith.constant 32 : index
      %swap3A_258 = tpu.vector_load %arg10[%swap3A_256, %swap3A_257] {strides = array<i32>} : memref<128x128xf32, #tpu.memory_space<vmem>>, vector<16xf32>,
      tpu.vector_store %arg10[%swap3A_256, %swap3A_257], %broadcast_in_dim3A_1 {strides = array<i32>} : memref<128x128xf32, #tpu.memory_space<vmem>>, vector<16xf32>,
      %swap3A_259 = arith.index_cast %scan3A_249 : i32 to index
      %swap3A_260 = arith.constant 48 : index
      %swap3A_261 = tpu.vector_load %arg10[%swap3A_259, %swap3A_260] {strides = array<i32>} : memref<128x128xf32, #tpu.memory_space<vmem>>, vector<16xf32>,
      tpu.vector_store %arg10[%swap3A_259, %swap3A_260], %broadcast_in_dim3A_1 {strides = array<i32>} : memref<128x128xf32, #tpu.memory_space<vmem>>, vector<16xf32>,
      %swap3A_262 = arith.index_cast %scan3A_249 : i32 to index
      %swap3A_263 = arith.constant 64 : index
      %swap3A_264 = tpu.vector_load %arg10[%swap3A_262, %swap3A_263] {strides = array<i32>} : memref<128x128xf32, #tpu.memory_space<vmem>>, vector<16xf32>,
      tpu.vector_store %arg10[%swap3A_262, %swap3A_263], %broadcast_in_dim3A_1 {strides = array<i32>} : memref<128x128xf32, #tpu.memory_space<vmem>>, vector<16xf32>,
      %swap3A_265 = arith.index_cast %scan3A_249 : i32 to index
      %swap3A_266 = arith.constant 80 : index
      %swap3A_267 = tpu.vector_load %arg10[%swap3A_265, %swap3A_266] {strides = array<i32>} : memref<128x128xf32, #tpu.memory_space<vmem>>, vector<16xf32>,
      tpu.vector_store %arg10[%swap3A_265, %swap3A_266], %broadcast_in_dim3A_1 {strides = array<i32>} : memref<128x128xf32, #tpu.memory_space<vmem>>, vector<16xf32>,
      %swap3A_268 = arith.index_cast %scan3A_249 : i32 to index
      %swap3A_269 = arith.constant 96 : index
      %swap3A_270 = tpu.vector_load %arg10[%swap3A_268, %swap3A_269] {strides = array<i32>} : memref<128x128xf32, #tpu.memory_space<vmem>>, vector<16xf32>,
      tpu.vector_store %arg10[%swap3A_268, %swap3A_269], %broadcast_in_dim3A_1 {strides = array<i32>} : memref<128x128xf32, #tpu.memory_space<vmem>>, vector<16xf32>,
      %swap3A_271 = arith.index_cast %scan3A_249 : i32 to index
      %swap3A_272 = arith.constant 112 : index
      %swap3A_273 = tpu.vector_load %arg10[%swap3A_271, %swap3A_272] {strides = array<i32>} : memref<128x128xf32, #tpu.memory_space<vmem>>, vector<16xf32>,
      tpu.vector_store %arg10[%swap3A_271, %swap3A_272], %broadcast_in_dim3A_1 {strides = array<i32>} : memref<128x128xf32, #tpu.memory_space<vmem>>, vector<16xf32>,
      %scan3A_274 = arith.constant 0 : i32
      scf.yield %scan3A_274 : i32
    }
    %scan3A_7 = arith.constant 128 : i32
    %scan3A_8 = arith.constant 0 : i32
    %scan3A_9 = arith.constant 0 : i32
    %scan3A_10 = arith.constant 80 : i32
    %scan3A_11 = arith.addi %scan3A_9, %scan3A_10 : i32
    %scan3A_12 = arith.constant 1 : i32
    %scan3A_13 = scf.for %scan3A_249 = %scan3A_9 to %scan3A_11 step %scan3A_12 iter_args(%scan3A_250 = %scan3A_8) -> (i32)  : i32 {
      %swap3A = arith.index_cast %scan3A_249 : i32 to index
      %swap3A_251 = arith.constant 0 : index
      %swap3A_252 = tpu.vector_load %arg12[%swap3A, %swap3A_251] {strides = array<i32>} : memref<80x128xf32, #tpu.memory_space<vmem>>, vector<16xf32>,
      tpu.vector_store %arg12[%swap3A, %swap3A_251], %broadcast_in_dim3A_1 {strides = array<i32>} : memref<80x128xf32, #tpu.memory_space<vmem>>, vector<16xf32>,
      %swap3A_253 = arith.index_cast %scan3A_249 : i32 to index
      %swap3A_254 = arith.constant 16 : index
      %swap3A_255 = tpu.vector_load %arg12[%swap3A_253, %swap3A_254] {strides = array<i32>} : memref<80x128xf32, #tpu.memory_space<vmem>>, vector<16xf32>,
      tpu.vector_store %arg12[%swap3A_253, %swap3A_254], %broadcast_in_dim3A_1 {strides = array<i32>} : memref<80x128xf32, #tpu.memory_space<vmem>>, vector<16xf32>,
      %swap3A_256 = arith.index_cast %scan3A_249 : i32 to index
      %swap3A_257 = arith.constant 32 : index
      %swap3A_258 = tpu.vector_load %arg12[%swap3A_256, %swap3A_257] {strides = array<i32>} : memref<80x128xf32, #tpu.memory_space<vmem>>, vector<16xf32>,
      tpu.vector_store %arg12[%swap3A_256, %swap3A_257], %broadcast_in_dim3A_1 {strides = array<i32>} : memref<80x128xf32, #tpu.memory_space<vmem>>, vector<16xf32>,
      %swap3A_259 = arith.index_cast %scan3A_249 : i32 to index
      %swap3A_260 = arith.constant 48 : index
      %swap3A_261 = tpu.vector_load %arg12[%swap3A_259, %swap3A_260] {strides = array<i32>} : memref<80x128xf32, #tpu.memory_space<vmem>>, vector<16xf32>,
      tpu.vector_store %arg12[%swap3A_259, %swap3A_260], %broadcast_in_dim3A_1 {strides = array<i32>} : memref<80x128xf32, #tpu.memory_space<vmem>>, vector<16xf32>,
      %swap3A_262 = arith.index_cast %scan3A_249 : i32 to index
      %swap3A_263 = arith.constant 64 : index
      %swap3A_264 = tpu.vector_load %arg12[%swap3A_262, %swap3A_263] {strides = array<i32>} : memref<80x128xf32, #tpu.memory_space<vmem>>, vector<16xf32>,
      tpu.vector_store %arg12[%swap3A_262, %swap3A_263], %broadcast_in_dim3A_1 {strides = array<i32>} : memref<80x128xf32, #tpu.memory_space<vmem>>, vector<16xf32>,
      %swap3A_265 = arith.index_cast %scan3A_249 : i32 to index
      %swap3A_266 = arith.constant 80 : index
      %swap3A_267 = tpu.vector_load %arg12[%swap3A_265, %swap3A_266] {strides = array<i32>} : memref<80x128xf32, #tpu.memory_space<vmem>>, vector<16xf32>,
      tpu.vector_store %arg12[%swap3A_265, %swap3A_266], %broadcast_in_dim3A_1 {strides = array<i32>} : memref<80x128xf32, #tpu.memory_space<vmem>>, vector<16xf32>,
      %swap3A_268 = arith.index_cast %scan3A_249 : i32 to index
      %swap3A_269 = arith.constant 96 : index
      %swap3A_270 = tpu.vector_load %arg12[%swap3A_268, %swap3A_269] {strides = array<i32>} : memref<80x128xf32, #tpu.memory_space<vmem>>, vector<16xf32>,
      tpu.vector_store %arg12[%swap3A_268, %swap3A_269], %broadcast_in_dim3A_1 {strides = array<i32>} : memref<80x128xf32, #tpu.memory_space<vmem>>, vector<16xf32>,
      %swap3A_271 = arith.index_cast %scan3A_249 : i32 to index
      %swap3A_272 = arith.constant 112 : index
      %swap3A_273 = tpu.vector_load %arg12[%swap3A_271, %swap3A_272] {strides = array<i32>} : memref<80x128xf32, #tpu.memory_space<vmem>>, vector<16xf32>,
      tpu.vector_store %arg12[%swap3A_271, %swap3A_272], %broadcast_in_dim3A_1 {strides = array<i32>} : memref<80x128xf32, #tpu.memory_space<vmem>>, vector<16xf32>,
      %scan3A_274 = arith.constant 0 : i32
      scf.yield %scan3A_274 : i32
    }
    %scan3A_14 = arith.constant 80 : i32
    %mul3A_15 = arith.constant 624 : i32
    %mul3A_16 = arith.muli %arg1, %mul3A_15 : i32
    %add3A_17 = arith.constant 0 : i32
    %add3A_18 = arith.addi %mul3A_16, %add3A_17 : i32
    "tpu.region"() ({
      %run_scoped3A_249 = tpu.sem_alloc : memref<!tpu.dma_semaphore, #tpu.memory_space<semaphore_mem>>
      %dma_start3A_250 = arith.constant 0 : i32
      %dma_start3A_251 = tpu.memref_slice %arg7[%add3A_18, %dma_start3A_250] : memref<10016x128xf32, #tpu.memory_space<vmem_shared>> -> memref<128x128xf32, #tpu.memory_space<vmem_shared>>
      %dma_start3A_252 = arith.constant 0 : i32
      %dma_start3A_253 = tpu.memref_slice %arg7[%add3A_18, %dma_start3A_252] : memref<10016x128xf32, #tpu.memory_space<vmem_shared>> -> memref<128x128xf32, #tpu.memory_space<vmem_shared>>
      tpu.enqueue_dma source(%arg10 : memref<128x128xf32, #tpu.memory_space<vmem>>) target(%dma_start3A_253 : memref<128x128xf32, #tpu.memory_space<vmem_shared>>) target_semaphore(%run_scoped3A_249 : memref<!tpu.dma_semaphore, #tpu.memory_space<semaphore_mem>>)
      %dma_wait3A_254 = arith.constant 0 : i32
      %dma_wait3A_255 = tpu.memref_slice %arg7[%add3A_18, %dma_wait3A_254] : memref<10016x128xf32, #tpu.memory_space<vmem_shared>> -> memref<128x128xf32, #tpu.memory_space<vmem_shared>>
      %dma_wait3A_256 = arith.constant 0 : i32
      %dma_wait3A_257 = tpu.memref_slice %arg7[%add3A_18, %dma_wait3A_256] : memref<10016x128xf32, #tpu.memory_space<vmem_shared>> -> memref<128x128xf32, #tpu.memory_space<vmem_shared>>
      tpu.wait_dma2 semaphore(%run_scoped3A_249 : memref<!tpu.dma_semaphore, #tpu.memory_space<semaphore_mem>>) src(%arg10 : memref<128x128xf32, #tpu.memory_space<vmem>>) dst(%dma_wait3A_257 : memref<128x128xf32, #tpu.memory_space<vmem_shared>>)
      tpu.yield
    }) : () -> ()
    %mul3A_19 = arith.constant 624 : i32
    %mul3A_20 = arith.muli %arg1, %mul3A_19 : i32
    %add3A_21 = arith.constant 128 : i32
    %add3A_22 = arith.addi %mul3A_20, %add3A_21 : i32
    "tpu.region"() ({
      %run_scoped3A_249 = tpu.sem_alloc : memref<!tpu.dma_semaphore, #tpu.memory_space<semaphore_mem>>
      %dma_start3A_250 = arith.constant 0 : i32
      %dma_start3A_251 = tpu.memref_slice %arg7[%add3A_22, %dma_start3A_250] : memref<10016x128xf32, #tpu.memory_space<vmem_shared>> -> memref<128x128xf32, #tpu.memory_space<vmem_shared>>
      %dma_start3A_252 = arith.constant 0 : i32
      %dma_start3A_253 = tpu.memref_slice %arg7[%add3A_22, %dma_start3A_252] : memref<10016x128xf32, #tpu.memory_space<vmem_shared>> -> memref<128x128xf32, #tpu.memory_space<vmem_shared>>
      tpu.enqueue_dma source(%arg10 : memref<128x128xf32, #tpu.memory_space<vmem>>) target(%dma_start3A_253 : memref<128x128xf32, #tpu.memory_space<vmem_shared>>) target_semaphore(%run_scoped3A_249 : memref<!tpu.dma_semaphore, #tpu.memory_space<semaphore_mem>>)
      %dma_wait3A_254 = arith.constant 0 : i32
      %dma_wait3A_255 = tpu.memref_slice %arg7[%add3A_22, %dma_wait3A_254] : memref<10016x128xf32, #tpu.memory_space<vmem_shared>> -> memref<128x128xf32, #tpu.memory_space<vmem_shared>>
      %dma_wait3A_256 = arith.constant 0 : i32
      %dma_wait3A_257 = tpu.memref_slice %arg7[%add3A_22, %dma_wait3A_256] : memref<10016x128xf32, #tpu.memory_space<vmem_shared>> -> memref<128x128xf32, #tpu.memory_space<vmem_shared>>
      tpu.wait_dma2 semaphore(%run_scoped3A_249 : memref<!tpu.dma_semaphore, #tpu.memory_space<semaphore_mem>>) src(%arg10 : memref<128x128xf32, #tpu.memory_space<vmem>>) dst(%dma_wait3A_257 : memref<128x128xf32, #tpu.memory_space<vmem_shared>>)
      tpu.yield
    }) : () -> ()
    %mul3A_23 = arith.constant 624 : i32
    %mul3A_24 = arith.muli %arg1, %mul3A_23 : i32
    %add3A_25 = arith.constant 256 : i32
    %add3A_26 = arith.addi %mul3A_24, %add3A_25 : i32
    "tpu.region"() ({
      %run_scoped3A_249 = tpu.sem_alloc : memref<!tpu.dma_semaphore, #tpu.memory_space<semaphore_mem>>
      %dma_start3A_250 = arith.constant 0 : i32
      %dma_start3A_251 = tpu.memref_slice %arg7[%add3A_26, %dma_start3A_250] : memref<10016x128xf32, #tpu.memory_space<vmem_shared>> -> memref<128x128xf32, #tpu.memory_space<vmem_shared>>
      %dma_start3A_252 = arith.constant 0 : i32
      %dma_start3A_253 = tpu.memref_slice %arg7[%add3A_26, %dma_start3A_252] : memref<10016x128xf32, #tpu.memory_space<vmem_shared>> -> memref<128x128xf32, #tpu.memory_space<vmem_shared>>
      tpu.enqueue_dma source(%arg10 : memref<128x128xf32, #tpu.memory_space<vmem>>) target(%dma_start3A_253 : memref<128x128xf32, #tpu.memory_space<vmem_shared>>) target_semaphore(%run_scoped3A_249 : memref<!tpu.dma_semaphore, #tpu.memory_space<semaphore_mem>>)
      %dma_wait3A_254 = arith.constant 0 : i32
      %dma_wait3A_255 = tpu.memref_slice %arg7[%add3A_26, %dma_wait3A_254] : memref<10016x128xf32, #tpu.memory_space<vmem_shared>> -> memref<128x128xf32, #tpu.memory_space<vmem_shared>>
      %dma_wait3A_256 = arith.constant 0 : i32
      %dma_wait3A_257 = tpu.memref_slice %arg7[%add3A_26, %dma_wait3A_256] : memref<10016x128xf32, #tpu.memory_space<vmem_shared>> -> memref<128x128xf32, #tpu.memory_space<vmem_shared>>
      tpu.wait_dma2 semaphore(%run_scoped3A_249 : memref<!tpu.dma_semaphore, #tpu.memory_space<semaphore_mem>>) src(%arg10 : memref<128x128xf32, #tpu.memory_space<vmem>>) dst(%dma_wait3A_257 : memref<128x128xf32, #tpu.memory_space<vmem_shared>>)
      tpu.yield
    }) : () -> ()
    %mul3A_27 = arith.constant 624 : i32
    %mul3A_28 = arith.muli %arg1, %mul3A_27 : i32
    %add3A_29 = arith.constant 384 : i32
    %add3A_30 = arith.addi %mul3A_28, %add3A_29 : i32
    "tpu.region"() ({
      %run_scoped3A_249 = tpu.sem_alloc : memref<!tpu.dma_semaphore, #tpu.memory_space<semaphore_mem>>
      %dma_start3A_250 = arith.constant 0 : i32
      %dma_start3A_251 = tpu.memref_slice %arg7[%add3A_30, %dma_start3A_250] : memref<10016x128xf32, #tpu.memory_space<vmem_shared>> -> memref<128x128xf32, #tpu.memory_space<vmem_shared>>
      %dma_start3A_252 = arith.constant 0 : i32
      %dma_start3A_253 = tpu.memref_slice %arg7[%add3A_30, %dma_start3A_252] : memref<10016x128xf32, #tpu.memory_space<vmem_shared>> -> memref<128x128xf32, #tpu.memory_space<vmem_shared>>
      tpu.enqueue_dma source(%arg10 : memref<128x128xf32, #tpu.memory_space<vmem>>) target(%dma_start3A_253 : memref<128x128xf32, #tpu.memory_space<vmem_shared>>) target_semaphore(%run_scoped3A_249 : memref<!tpu.dma_semaphore, #tpu.memory_space<semaphore_mem>>)
      %dma_wait3A_254 = arith.constant 0 : i32
      %dma_wait3A_255 = tpu.memref_slice %arg7[%add3A_30, %dma_wait3A_254] : memref<10016x128xf32, #tpu.memory_space<vmem_shared>> -> memref<128x128xf32, #tpu.memory_space<vmem_shared>>
      %dma_wait3A_256 = arith.constant 0 : i32
      %dma_wait3A_257 = tpu.memref_slice %arg7[%add3A_30, %dma_wait3A_256] : memref<10016x128xf32, #tpu.memory_space<vmem_shared>> -> memref<128x128xf32, #tpu.memory_space<vmem_shared>>
      tpu.wait_dma2 semaphore(%run_scoped3A_249 : memref<!tpu.dma_semaphore, #tpu.memory_space<semaphore_mem>>) src(%arg10 : memref<128x128xf32, #tpu.memory_space<vmem>>) dst(%dma_wait3A_257 : memref<128x128xf32, #tpu.memory_space<vmem_shared>>)
      tpu.yield
    }) : () -> ()
    %mul3A_31 = arith.constant 624 : i32
    %mul3A_32 = arith.muli %arg1, %mul3A_31 : i32
    %add3A_33 = arith.constant 512 : i32
    %add3A_34 = arith.addi %mul3A_32, %add3A_33 : i32
    "tpu.region"() ({
      %run_scoped3A_249 = tpu.sem_alloc : memref<!tpu.dma_semaphore, #tpu.memory_space<semaphore_mem>>
      %dma_start3A_250 = arith.constant 0 : i32
      %dma_start3A_251 = tpu.memref_slice %arg7[%add3A_34, %dma_start3A_250] : memref<10016x128xf32, #tpu.memory_space<vmem_shared>> -> memref<128x128xf32, #tpu.memory_space<vmem_shared>>
      %dma_start3A_252 = arith.constant 0 : i32
      %dma_start3A_253 = tpu.memref_slice %arg7[%add3A_34, %dma_start3A_252] : memref<10016x128xf32, #tpu.memory_space<vmem_shared>> -> memref<128x128xf32, #tpu.memory_space<vmem_shared>>
      tpu.enqueue_dma source(%arg10 : memref<128x128xf32, #tpu.memory_space<vmem>>) target(%dma_start3A_253 : memref<128x128xf32, #tpu.memory_space<vmem_shared>>) target_semaphore(%run_scoped3A_249 : memref<!tpu.dma_semaphore, #tpu.memory_space<semaphore_mem>>)
      %dma_wait3A_254 = arith.constant 0 : i32
      %dma_wait3A_255 = tpu.memref_slice %arg7[%add3A_34, %dma_wait3A_254] : memref<10016x128xf32, #tpu.memory_space<vmem_shared>> -> memref<128x128xf32, #tpu.memory_space<vmem_shared>>
      %dma_wait3A_256 = arith.constant 0 : i32
      %dma_wait3A_257 = tpu.memref_slice %arg7[%add3A_34, %dma_wait3A_256] : memref<10016x128xf32, #tpu.memory_space<vmem_shared>> -> memref<128x128xf32, #tpu.memory_space<vmem_shared>>
      tpu.wait_dma2 semaphore(%run_scoped3A_249 : memref<!tpu.dma_semaphore, #tpu.memory_space<semaphore_mem>>) src(%arg10 : memref<128x128xf32, #tpu.memory_space<vmem>>) dst(%dma_wait3A_257 : memref<128x128xf32, #tpu.memory_space<vmem_shared>>)
      tpu.yield
    }) : () -> ()
    %eq3A = arith.constant 0 : i32
    %eq3A_35 = arith.cmpi eq, %arg1, %eq3A : i32
    %convert_element_type3A = arith.extui %eq3A_35 : i1 to i32
    %cond3A = arith.constant 0 : i32
    %cond3A_36 = arith.cmpi ne, %convert_element_type3A, %cond3A : i32
    scf.if %cond3A_36 {
      "tpu.region"() ({
        %run_scoped3A_249 = tpu.sem_alloc : memref<!tpu.dma_semaphore, #tpu.memory_space<semaphore_mem>>
        %dma_start3A_250 = arith.constant 0 : i32
        %dma_start3A_251 = arith.constant 0 : i32
        %dma_start3A_252 = tpu.memref_slice %arg10[%dma_start3A_250, %dma_start3A_251] : memref<128x128xf32, #tpu.memory_space<vmem>> -> memref<16x128xf32, #tpu.memory_space<vmem>>
        %dma_start3A_253 = arith.constant 10000 : i32
        %dma_start3A_254 = arith.constant 0 : i32
        %dma_start3A_255 = tpu.memref_slice %arg7[%dma_start3A_253, %dma_start3A_254] : memref<10016x128xf32, #tpu.memory_space<vmem_shared>> -> memref<16x128xf32, #tpu.memory_space<vmem_shared>>
        %dma_start3A_256 = arith.constant 10000 : i32
        %dma_start3A_257 = arith.constant 0 : i32
        %dma_start3A_258 = tpu.memref_slice %arg7[%dma_start3A_256, %dma_start3A_257] : memref<10016x128xf32, #tpu.memory_space<vmem_shared>> -> memref<16x128xf32, #tpu.memory_space<vmem_shared>>
        %dma_start3A_259 = arith.constant 0 : i32
        %dma_start3A_260 = arith.constant 0 : i32
        %dma_start3A_261 = tpu.memref_slice %arg10[%dma_start3A_259, %dma_start3A_260] : memref<128x128xf32, #tpu.memory_space<vmem>> -> memref<16x128xf32, #tpu.memory_space<vmem>>
        tpu.enqueue_dma source(%dma_start3A_261 : memref<16x128xf32, #tpu.memory_space<vmem>>) target(%dma_start3A_258 : memref<16x128xf32, #tpu.memory_space<vmem_shared>>) target_semaphore(%run_scoped3A_249 : memref<!tpu.dma_semaphore, #tpu.memory_space<semaphore_mem>>)
        %dma_wait3A_262 = arith.constant 0 : i32
        %dma_wait3A_263 = arith.constant 0 : i32
        %dma_wait3A_264 = tpu.memref_slice %arg10[%dma_wait3A_262, %dma_wait3A_263] : memref<128x128xf32, #tpu.memory_space<vmem>> -> memref<16x128xf32, #tpu.memory_space<vmem>>
        %dma_wait3A_265 = arith.constant 10000 : i32
        %dma_wait3A_266 = arith.constant 0 : i32
        %dma_wait3A_267 = tpu.memref_slice %arg7[%dma_wait3A_265, %dma_wait3A_266] : memref<10016x128xf32, #tpu.memory_space<vmem_shared>> -> memref<16x128xf32, #tpu.memory_space<vmem_shared>>
        %dma_wait3A_268 = arith.constant 10000 : i32
        %dma_wait3A_269 = arith.constant 0 : i32
        %dma_wait3A_270 = tpu.memref_slice %arg7[%dma_wait3A_268, %dma_wait3A_269] : memref<10016x128xf32, #tpu.memory_space<vmem_shared>> -> memref<16x128xf32, #tpu.memory_space<vmem_shared>>
        %dma_wait3A_271 = arith.constant 0 : i32
        %dma_wait3A_272 = arith.constant 0 : i32
        %dma_wait3A_273 = tpu.memref_slice %arg10[%dma_wait3A_271, %dma_wait3A_272] : memref<128x128xf32, #tpu.memory_space<vmem>> -> memref<16x128xf32, #tpu.memory_space<vmem>>
        tpu.wait_dma2 semaphore(%run_scoped3A_249 : memref<!tpu.dma_semaphore, #tpu.memory_space<semaphore_mem>>) src(%dma_wait3A_273 : memref<16x128xf32, #tpu.memory_space<vmem>>) dst(%dma_wait3A_270 : memref<16x128xf32, #tpu.memory_space<vmem_shared>>)
        tpu.yield
      }) : () -> ()
    } else {
    }
    %barrier3A = arith.constant 0 : index
    tpu.barrier barrier_id(%barrier3A)
    %mul3A_37 = arith.constant 79 : i32
    %mul3A_38 = arith.muli %add3A, %mul3A_37 : i32
    %add3A_39 = arith.constant 0 : i32
    %add3A_40 = arith.addi %mul3A_38, %add3A_39 : i32
    %mul3A_41 = arith.constant 128 : i32
    %mul3A_42 = arith.muli %add3A_40, %mul3A_41 : i32
    %dma_start3A = arith.constant 0 : i32
    %dma_start3A_43 = arith.constant 0 : i32
    %dma_start3A_44 = tpu.memref_slice %arg8[%dma_start3A, %dma_start3A_43] : memref<2x128xi32, #tpu.memory_space<vmem>> -> memref<1x128xi32, #tpu.memory_space<vmem>>
    %dma_start3A_45 = tpu.memref_squeeze %dma_start3A_44 : memref<1x128xi32, #tpu.memory_space<vmem>> -> memref<128xi32, #tpu.memory_space<vmem>>
    %dma_start3A_46 = tpu.memref_slice %arg3[%mul3A_42] : memref<323584xi32, #tpu.memory_space<hbm>> -> memref<128xi32, #tpu.memory_space<hbm>>
    %dma_start3A_47 = arith.constant 0 : i32
    %dma_start3A_48 = tpu.memref_slice %arg8[%dma_start3A, %dma_start3A_47] : memref<2x128xi32, #tpu.memory_space<vmem>> -> memref<1x128xi32, #tpu.memory_space<vmem>>
    %dma_start3A_49 = tpu.memref_squeeze %dma_start3A_48 : memref<1x128xi32, #tpu.memory_space<vmem>> -> memref<128xi32, #tpu.memory_space<vmem>>
    %dma_start3A_50 = tpu.memref_slice %arg3[%mul3A_42] : memref<323584xi32, #tpu.memory_space<hbm>> -> memref<128xi32, #tpu.memory_space<hbm>>
    tpu.enqueue_dma source(%dma_start3A_50 : memref<128xi32, #tpu.memory_space<hbm>>) target(%dma_start3A_49 : memref<128xi32, #tpu.memory_space<vmem>>) target_semaphore(%arg15 : memref<!tpu.dma_semaphore, #tpu.memory_space<semaphore_mem>>)
    %dma_start3A_51 = arith.constant 0 : i32
    %dma_start3A_52 = arith.constant 0 : i32
    %dma_start3A_53 = tpu.memref_slice %arg9[%dma_start3A_51, %dma_start3A_52] : memref<2x128xi32, #tpu.memory_space<vmem>> -> memref<1x128xi32, #tpu.memory_space<vmem>>
    %dma_start3A_54 = tpu.memref_squeeze %dma_start3A_53 : memref<1x128xi32, #tpu.memory_space<vmem>> -> memref<128xi32, #tpu.memory_space<vmem>>
    %dma_start3A_55 = tpu.memref_slice %arg4[%mul3A_42] : memref<323584xi32, #tpu.memory_space<hbm>> -> memref<128xi32, #tpu.memory_space<hbm>>
    %dma_start3A_56 = arith.constant 0 : i32
    %dma_start3A_57 = tpu.memref_slice %arg9[%dma_start3A_51, %dma_start3A_56] : memref<2x128xi32, #tpu.memory_space<vmem>> -> memref<1x128xi32, #tpu.memory_space<vmem>>
    %dma_start3A_58 = tpu.memref_squeeze %dma_start3A_57 : memref<1x128xi32, #tpu.memory_space<vmem>> -> memref<128xi32, #tpu.memory_space<vmem>>
    %dma_start3A_59 = tpu.memref_slice %arg4[%mul3A_42] : memref<323584xi32, #tpu.memory_space<hbm>> -> memref<128xi32, #tpu.memory_space<hbm>>
    tpu.enqueue_dma source(%dma_start3A_59 : memref<128xi32, #tpu.memory_space<hbm>>) target(%dma_start3A_58 : memref<128xi32, #tpu.memory_space<vmem>>) target_semaphore(%arg15 : memref<!tpu.dma_semaphore, #tpu.memory_space<semaphore_mem>>)
    %mul3A_60 = arith.constant 79 : i32
    %mul3A_61 = arith.muli %add3A, %mul3A_60 : i32
    %add3A_62 = arith.constant 0 : i32
    %add3A_63 = arith.addi %mul3A_61, %add3A_62 : i32
    %mul3A_64 = arith.constant 128 : i32
    %mul3A_65 = arith.muli %add3A_63, %mul3A_64 : i32
    %dma_wait3A = arith.constant 0 : i32
    %dma_wait3A_66 = arith.constant 0 : i32
    %dma_wait3A_67 = tpu.memref_slice %arg8[%dma_wait3A, %dma_wait3A_66] : memref<2x128xi32, #tpu.memory_space<vmem>> -> memref<1x128xi32, #tpu.memory_space<vmem>>
    %dma_wait3A_68 = tpu.memref_squeeze %dma_wait3A_67 : memref<1x128xi32, #tpu.memory_space<vmem>> -> memref<128xi32, #tpu.memory_space<vmem>>
    %dma_wait3A_69 = tpu.memref_slice %arg3[%mul3A_65] : memref<323584xi32, #tpu.memory_space<hbm>> -> memref<128xi32, #tpu.memory_space<hbm>>
    %dma_wait3A_70 = arith.constant 0 : i32
    %dma_wait3A_71 = tpu.memref_slice %arg8[%dma_wait3A, %dma_wait3A_70] : memref<2x128xi32, #tpu.memory_space<vmem>> -> memref<1x128xi32, #tpu.memory_space<vmem>>
    %dma_wait3A_72 = tpu.memref_squeeze %dma_wait3A_71 : memref<1x128xi32, #tpu.memory_space<vmem>> -> memref<128xi32, #tpu.memory_space<vmem>>
    %dma_wait3A_73 = tpu.memref_slice %arg3[%mul3A_65] : memref<323584xi32, #tpu.memory_space<hbm>> -> memref<128xi32, #tpu.memory_space<hbm>>
    tpu.wait_dma2 semaphore(%arg15 : memref<!tpu.dma_semaphore, #tpu.memory_space<semaphore_mem>>) src(%dma_wait3A_73 : memref<128xi32, #tpu.memory_space<hbm>>) dst(%dma_wait3A_72 : memref<128xi32, #tpu.memory_space<vmem>>)
    %dma_wait3A_74 = arith.constant 0 : i32
    %dma_wait3A_75 = arith.constant 0 : i32
    %dma_wait3A_76 = tpu.memref_slice %arg9[%dma_wait3A_74, %dma_wait3A_75] : memref<2x128xi32, #tpu.memory_space<vmem>> -> memref<1x128xi32, #tpu.memory_space<vmem>>
    %dma_wait3A_77 = tpu.memref_squeeze %dma_wait3A_76 : memref<1x128xi32, #tpu.memory_space<vmem>> -> memref<128xi32, #tpu.memory_space<vmem>>
    %dma_wait3A_78 = tpu.memref_slice %arg4[%mul3A_65] : memref<323584xi32, #tpu.memory_space<hbm>> -> memref<128xi32, #tpu.memory_space<hbm>>
    %dma_wait3A_79 = arith.constant 0 : i32
    %dma_wait3A_80 = tpu.memref_slice %arg9[%dma_wait3A_74, %dma_wait3A_79] : memref<2x128xi32, #tpu.memory_space<vmem>> -> memref<1x128xi32, #tpu.memory_space<vmem>>
    %dma_wait3A_81 = tpu.memref_squeeze %dma_wait3A_80 : memref<1x128xi32, #tpu.memory_space<vmem>> -> memref<128xi32, #tpu.memory_space<vmem>>
    %dma_wait3A_82 = tpu.memref_slice %arg4[%mul3A_65] : memref<323584xi32, #tpu.memory_space<hbm>> -> memref<128xi32, #tpu.memory_space<hbm>>
    tpu.wait_dma2 semaphore(%arg15 : memref<!tpu.dma_semaphore, #tpu.memory_space<semaphore_mem>>) src(%dma_wait3A_82 : memref<128xi32, #tpu.memory_space<hbm>>) dst(%dma_wait3A_81 : memref<128xi32, #tpu.memory_space<vmem>>)
    %dma_start3A_83 = arith.constant 0 : i32
    %dma_start3A_84 = arith.constant 0 : i32
    %dma_start3A_85 = tpu.memref_slice %arg8[%dma_start3A_83, %dma_start3A_84] : memref<2x128xi32, #tpu.memory_space<vmem>> -> memref<1x128xi32, #tpu.memory_space<vmem>>
    %dma_start3A_86 = tpu.memref_squeeze %dma_start3A_85 : memref<1x128xi32, #tpu.memory_space<vmem>> -> memref<128xi32, #tpu.memory_space<vmem>>
    %dma_start3A_87 = arith.constant 0 : i32
    %dma_start3A_88 = arith.constant 0 : i32
    %dma_start3A_89 = tpu.memref_slice %arg2[%dma_start3A_87, %dma_start3A_88] : memref<10000x128xf32, #tpu.memory_space<hbm>> -> memref<10000x128xf32, #tpu.memory_space<hbm>>
    tpu.enqueue_indirect_dma source(%dma_start3A_89 : memref<10000x128xf32, #tpu.memory_space<hbm>>) target(%arg10 : memref<128x128xf32, #tpu.memory_space<vmem>>) offsets(%dma_start3A_86 : memref<128xi32, #tpu.memory_space<vmem>>) semaphore(%arg13 : memref<!tpu.dma_semaphore, #tpu.memory_space<semaphore_mem>>)
    %mul3A_90 = arith.constant 79 : i32
    %mul3A_91 = arith.muli %add3A, %mul3A_90 : i32
    %add3A_92 = arith.constant 1 : i32
    %add3A_93 = arith.addi %mul3A_91, %add3A_92 : i32
    %mul3A_94 = arith.constant 128 : i32
    %mul3A_95 = arith.muli %add3A_93, %mul3A_94 : i32
    %dma_start3A_96 = arith.constant 1 : i32
    %dma_start3A_97 = arith.constant 0 : i32
    %dma_start3A_98 = tpu.memref_slice %arg8[%dma_start3A_96, %dma_start3A_97] : memref<2x128xi32, #tpu.memory_space<vmem>> -> memref<1x128xi32, #tpu.memory_space<vmem>>
    %dma_start3A_99 = tpu.memref_squeeze %dma_start3A_98 : memref<1x128xi32, #tpu.memory_space<vmem>> -> memref<128xi32, #tpu.memory_space<vmem>>
    %dma_start3A_100 = tpu.memref_slice %arg3[%mul3A_95] : memref<323584xi32, #tpu.memory_space<hbm>> -> memref<128xi32, #tpu.memory_space<hbm>>
    %dma_start3A_101 = arith.constant 0 : i32
    %dma_start3A_102 = tpu.memref_slice %arg8[%dma_start3A_96, %dma_start3A_101] : memref<2x128xi32, #tpu.memory_space<vmem>> -> memref<1x128xi32, #tpu.memory_space<vmem>>
    %dma_start3A_103 = tpu.memref_squeeze %dma_start3A_102 : memref<1x128xi32, #tpu.memory_space<vmem>> -> memref<128xi32, #tpu.memory_space<vmem>>
    %dma_start3A_104 = tpu.memref_slice %arg3[%mul3A_95] : memref<323584xi32, #tpu.memory_space<hbm>> -> memref<128xi32, #tpu.memory_space<hbm>>
    tpu.enqueue_dma source(%dma_start3A_104 : memref<128xi32, #tpu.memory_space<hbm>>) target(%dma_start3A_103 : memref<128xi32, #tpu.memory_space<vmem>>) target_semaphore(%arg16 : memref<!tpu.dma_semaphore, #tpu.memory_space<semaphore_mem>>)
    %dma_start3A_105 = arith.constant 1 : i32
    %dma_start3A_106 = arith.constant 0 : i32
    %dma_start3A_107 = tpu.memref_slice %arg9[%dma_start3A_105, %dma_start3A_106] : memref<2x128xi32, #tpu.memory_space<vmem>> -> memref<1x128xi32, #tpu.memory_space<vmem>>
    %dma_start3A_108 = tpu.memref_squeeze %dma_start3A_107 : memref<1x128xi32, #tpu.memory_space<vmem>> -> memref<128xi32, #tpu.memory_space<vmem>>
    %dma_start3A_109 = tpu.memref_slice %arg4[%mul3A_95] : memref<323584xi32, #tpu.memory_space<hbm>> -> memref<128xi32, #tpu.memory_space<hbm>>
    %dma_start3A_110 = arith.constant 0 : i32
    %dma_start3A_111 = tpu.memref_slice %arg9[%dma_start3A_105, %dma_start3A_110] : memref<2x128xi32, #tpu.memory_space<vmem>> -> memref<1x128xi32, #tpu.memory_space<vmem>>
    %dma_start3A_112 = tpu.memref_squeeze %dma_start3A_111 : memref<1x128xi32, #tpu.memory_space<vmem>> -> memref<128xi32, #tpu.memory_space<vmem>>
    %dma_start3A_113 = tpu.memref_slice %arg4[%mul3A_95] : memref<323584xi32, #tpu.memory_space<hbm>> -> memref<128xi32, #tpu.memory_space<hbm>>
    tpu.enqueue_dma source(%dma_start3A_113 : memref<128xi32, #tpu.memory_space<hbm>>) target(%dma_start3A_112 : memref<128xi32, #tpu.memory_space<vmem>>) target_semaphore(%arg16 : memref<!tpu.dma_semaphore, #tpu.memory_space<semaphore_mem>>)
    %scan3A_114 = arith.constant 0 : i32
    %scan3A_115 = arith.constant 0 : i32
    %scan3A_116 = arith.constant 39 : i32
    %scan3A_117 = arith.addi %scan3A_115, %scan3A_116 : i32
    %scan3A_118 = arith.constant 1 : i32
    %scan3A_119 = scf.for %scan3A_249 = %scan3A_115 to %scan3A_117 step %scan3A_118 iter_args(%scan3A_250 = %scan3A_114) -> (i32)  : i32 {
      %mul3A_251 = arith.constant 2 : i32
      %mul3A_252 = arith.muli %mul3A_251, %scan3A_249 : i32
      %dma_wait3A_253 = arith.constant 0 : i32
      %dma_wait3A_254 = arith.constant 0 : i32
      %dma_wait3A_255 = tpu.memref_slice %arg8[%dma_wait3A_253, %dma_wait3A_254] : memref<2x128xi32, #tpu.memory_space<vmem>> -> memref<1x128xi32, #tpu.memory_space<vmem>>
      %dma_wait3A_256 = tpu.memref_squeeze %dma_wait3A_255 : memref<1x128xi32, #tpu.memory_space<vmem>> -> memref<128xi32, #tpu.memory_space<vmem>>
      %dma_wait3A_257 = arith.constant 0 : i32
      %dma_wait3A_258 = arith.constant 0 : i32
      %dma_wait3A_259 = tpu.memref_slice %arg2[%dma_wait3A_257, %dma_wait3A_258] : memref<10000x128xf32, #tpu.memory_space<hbm>> -> memref<10000x128xf32, #tpu.memory_space<hbm>>
      tpu.wait_indirect_dma semaphore(%arg13 : memref<!tpu.dma_semaphore, #tpu.memory_space<semaphore_mem>>) src(%dma_wait3A_259 : memref<10000x128xf32, #tpu.memory_space<hbm>>) dst(%arg10 : memref<128x128xf32, #tpu.memory_space<vmem>>)
      %add3A_260 = arith.constant 1 : i32
      %add3A_261 = arith.addi %mul3A_252, %add3A_260 : i32
      %mul3A_262 = arith.constant 79 : i32
      %mul3A_263 = arith.muli %add3A, %mul3A_262 : i32
      %add3A_264 = arith.addi %mul3A_263, %add3A_261 : i32
      %mul3A_265 = arith.constant 128 : i32
      %mul3A_266 = arith.muli %add3A_264, %mul3A_265 : i32
      %dma_wait3A_267 = arith.constant 1 : i32
      %dma_wait3A_268 = arith.constant 0 : i32
      %dma_wait3A_269 = tpu.memref_slice %arg8[%dma_wait3A_267, %dma_wait3A_268] : memref<2x128xi32, #tpu.memory_space<vmem>> -> memref<1x128xi32, #tpu.memory_space<vmem>>
      %dma_wait3A_270 = tpu.memref_squeeze %dma_wait3A_269 : memref<1x128xi32, #tpu.memory_space<vmem>> -> memref<128xi32, #tpu.memory_space<vmem>>
      %dma_wait3A_271 = tpu.memref_slice %arg3[%mul3A_266] : memref<323584xi32, #tpu.memory_space<hbm>> -> memref<128xi32, #tpu.memory_space<hbm>>
      %dma_wait3A_272 = arith.constant 0 : i32
      %dma_wait3A_273 = tpu.memref_slice %arg8[%dma_wait3A_267, %dma_wait3A_272] : memref<2x128xi32, #tpu.memory_space<vmem>> -> memref<1x128xi32, #tpu.memory_space<vmem>>
      %dma_wait3A_274 = tpu.memref_squeeze %dma_wait3A_273 : memref<1x128xi32, #tpu.memory_space<vmem>> -> memref<128xi32, #tpu.memory_space<vmem>>
      %dma_wait3A_275 = tpu.memref_slice %arg3[%mul3A_266] : memref<323584xi32, #tpu.memory_space<hbm>> -> memref<128xi32, #tpu.memory_space<hbm>>
      tpu.wait_dma2 semaphore(%arg16 : memref<!tpu.dma_semaphore, #tpu.memory_space<semaphore_mem>>) src(%dma_wait3A_275 : memref<128xi32, #tpu.memory_space<hbm>>) dst(%dma_wait3A_274 : memref<128xi32, #tpu.memory_space<vmem>>)
      %dma_wait3A_276 = arith.constant 1 : i32
      %dma_wait3A_277 = arith.constant 0 : i32
      %dma_wait3A_278 = tpu.memref_slice %arg9[%dma_wait3A_276, %dma_wait3A_277] : memref<2x128xi32, #tpu.memory_space<vmem>> -> memref<1x128xi32, #tpu.memory_space<vmem>>
      %dma_wait3A_279 = tpu.memref_squeeze %dma_wait3A_278 : memref<1x128xi32, #tpu.memory_space<vmem>> -> memref<128xi32, #tpu.memory_space<vmem>>
      %dma_wait3A_280 = tpu.memref_slice %arg4[%mul3A_266] : memref<323584xi32, #tpu.memory_space<hbm>> -> memref<128xi32, #tpu.memory_space<hbm>>
      %dma_wait3A_281 = arith.constant 0 : i32
      %dma_wait3A_282 = tpu.memref_slice %arg9[%dma_wait3A_276, %dma_wait3A_281] : memref<2x128xi32, #tpu.memory_space<vmem>> -> memref<1x128xi32, #tpu.memory_space<vmem>>
      %dma_wait3A_283 = tpu.memref_squeeze %dma_wait3A_282 : memref<1x128xi32, #tpu.memory_space<vmem>> -> memref<128xi32, #tpu.memory_space<vmem>>
      %dma_wait3A_284 = tpu.memref_slice %arg4[%mul3A_266] : memref<323584xi32, #tpu.memory_space<hbm>> -> memref<128xi32, #tpu.memory_space<hbm>>
      tpu.wait_dma2 semaphore(%arg16 : memref<!tpu.dma_semaphore, #tpu.memory_space<semaphore_mem>>) src(%dma_wait3A_284 : memref<128xi32, #tpu.memory_space<hbm>>) dst(%dma_wait3A_283 : memref<128xi32, #tpu.memory_space<vmem>>)
      %dma_start3A_285 = arith.constant 1 : i32
      %dma_start3A_286 = arith.constant 0 : i32
      %dma_start3A_287 = tpu.memref_slice %arg8[%dma_start3A_285, %dma_start3A_286] : memref<2x128xi32, #tpu.memory_space<vmem>> -> memref<1x128xi32, #tpu.memory_space<vmem>>
      %dma_start3A_288 = tpu.memref_squeeze %dma_start3A_287 : memref<1x128xi32, #tpu.memory_space<vmem>> -> memref<128xi32, #tpu.memory_space<vmem>>
      %dma_start3A_289 = arith.constant 0 : i32
      %dma_start3A_290 = arith.constant 0 : i32
      %dma_start3A_291 = tpu.memref_slice %arg2[%dma_start3A_289, %dma_start3A_290] : memref<10000x128xf32, #tpu.memory_space<hbm>> -> memref<10000x128xf32, #tpu.memory_space<hbm>>
      tpu.enqueue_indirect_dma source(%dma_start3A_291 : memref<10000x128xf32, #tpu.memory_space<hbm>>) target(%arg11 : memref<128x128xf32, #tpu.memory_space<vmem>>) offsets(%dma_start3A_288 : memref<128xi32, #tpu.memory_space<vmem>>) semaphore(%arg14 : memref<!tpu.dma_semaphore, #tpu.memory_space<semaphore_mem>>)
      %run_scoped3A_292 = arith.constant 0 : i32
      "tpu.region"() ({
        %run_scoped3A_603 = tpu.sem_alloc : memref<!tpu.dma_semaphore, #tpu.memory_space<semaphore_mem>>
        %dma_start3A_604 = arith.constant 0 : i32
        %dma_start3A_605 = tpu.memref_slice %arg9[%run_scoped3A_292, %dma_start3A_604] : memref<2x128xi32, #tpu.memory_space<vmem>> -> memref<1x128xi32, #tpu.memory_space<vmem>>
        %dma_start3A_606 = tpu.memref_squeeze %dma_start3A_605 : memref<1x128xi32, #tpu.memory_space<vmem>> -> memref<128xi32, #tpu.memory_space<vmem>>
        %dma_start3A_607 = arith.constant 0 : i32
        %dma_start3A_608 = arith.constant 0 : i32
        %dma_start3A_609 = tpu.memref_slice %arg7[%dma_start3A_607, %dma_start3A_608] : memref<10016x128xf32, #tpu.memory_space<vmem_shared>> -> memref<10016x128xf32, #tpu.memory_space<vmem_shared>>
        tpu.enqueue_indirect_dma source(%arg10 : memref<128x128xf32, #tpu.memory_space<vmem>>) target(%dma_start3A_609 : memref<10016x128xf32, #tpu.memory_space<vmem_shared>>) offsets(%dma_start3A_606 : memref<128xi32, #tpu.memory_space<vmem>>) semaphore(%run_scoped3A_603 : memref<!tpu.dma_semaphore, #tpu.memory_space<semaphore_mem>>) {add = true}
        %dma_wait3A_610 = arith.constant 0 : i32
        %dma_wait3A_611 = tpu.memref_slice %arg9[%run_scoped3A_292, %dma_wait3A_610] : memref<2x128xi32, #tpu.memory_space<vmem>> -> memref<1x128xi32, #tpu.memory_space<vmem>>
        %dma_wait3A_612 = tpu.memref_squeeze %dma_wait3A_611 : memref<1x128xi32, #tpu.memory_space<vmem>> -> memref<128xi32, #tpu.memory_space<vmem>>
        %dma_wait3A_613 = arith.constant 0 : i32
        %dma_wait3A_614 = arith.constant 0 : i32
        %dma_wait3A_615 = tpu.memref_slice %arg7[%dma_wait3A_613, %dma_wait3A_614] : memref<10016x128xf32, #tpu.memory_space<vmem_shared>> -> memref<10016x128xf32, #tpu.memory_space<vmem_shared>>
        tpu.wait_indirect_dma semaphore(%run_scoped3A_603 : memref<!tpu.dma_semaphore, #tpu.memory_space<semaphore_mem>>) src(%arg10 : memref<128x128xf32, #tpu.memory_space<vmem>>) dst(%dma_wait3A_615 : memref<10016x128xf32, #tpu.memory_space<vmem_shared>>)
        tpu.yield
      }) : () -> ()
      %get3A_293 = arith.constant 0 : i32
      %get3A_294 = arith.index_cast %get3A_293 : i32 to index
      %get3A_295 = arith.constant 0 : index
      %get3A_296 = tpu.vector_load %arg9[%get3A_294, %get3A_295] {strides = array<i32>} : memref<2x128xi32, #tpu.memory_space<vmem>>, vector<16xi32>,
      %broadcast_in_dim3A_297 = arith.constant true
      %broadcast_in_dim3A_298 = vector.broadcast %broadcast_in_dim3A_297 : i1 to vector<16xi1>
      %unique3A_299, %unique3A_300 = tpu.scan_count mask(%broadcast_in_dim3A_298 : vector<16xi1>) value(%get3A_296 : vector<16xi32>) : vector<16xi1>, vector<16xi32>
      %shift_right_logical3A_301 = arith.constant 7 : i32
      %shift_right_logical3A_302 = vector.broadcast %shift_right_logical3A_301 : i32 to vector<16xi32>
      %shift_right_logical3A_303 = arith.shrui %get3A_296, %shift_right_logical3A_302 : vector<16xi32>
      %and3A_304 = arith.constant 127 : i32
      %and3A_305 = vector.broadcast %and3A_304 : i32 to vector<16xi32>
      %and3A_306 = arith.andi %get3A_296, %and3A_305 : vector<16xi32>
      %convert_element_type3A_307 = arith.sitofp %unique3A_300 : vector<16xi32> to vector<16xf32>
      tpu.vector_store_idx %arg12[%shift_right_logical3A_303, %and3A_306], %convert_element_type3A_307 masked %unique3A_299 {add = true} : memref<80x128xf32, #tpu.memory_space<vmem>>[vector<16xi32>, vector<16xi32>], vector<16xf32>, vector<16xi1>
      %get3A_308 = arith.constant 0 : i32
      %get3A_309 = arith.index_cast %get3A_308 : i32 to index
      %get3A_310 = arith.constant 16 : index
      %get3A_311 = tpu.vector_load %arg9[%get3A_309, %get3A_310] {strides = array<i32>} : memref<2x128xi32, #tpu.memory_space<vmem>>, vector<16xi32>,
      %broadcast_in_dim3A_312 = arith.constant true
      %broadcast_in_dim3A_313 = vector.broadcast %broadcast_in_dim3A_312 : i1 to vector<16xi1>
      %unique3A_314, %unique3A_315 = tpu.scan_count mask(%broadcast_in_dim3A_313 : vector<16xi1>) value(%get3A_311 : vector<16xi32>) : vector<16xi1>, vector<16xi32>
      %shift_right_logical3A_316 = arith.constant 7 : i32
      %shift_right_logical3A_317 = vector.broadcast %shift_right_logical3A_316 : i32 to vector<16xi32>
      %shift_right_logical3A_318 = arith.shrui %get3A_311, %shift_right_logical3A_317 : vector<16xi32>
      %and3A_319 = arith.constant 127 : i32
      %and3A_320 = vector.broadcast %and3A_319 : i32 to vector<16xi32>
      %and3A_321 = arith.andi %get3A_311, %and3A_320 : vector<16xi32>
      %convert_element_type3A_322 = arith.sitofp %unique3A_315 : vector<16xi32> to vector<16xf32>
      tpu.vector_store_idx %arg12[%shift_right_logical3A_318, %and3A_321], %convert_element_type3A_322 masked %unique3A_314 {add = true} : memref<80x128xf32, #tpu.memory_space<vmem>>[vector<16xi32>, vector<16xi32>], vector<16xf32>, vector<16xi1>
      %get3A_323 = arith.constant 0 : i32
      %get3A_324 = arith.index_cast %get3A_323 : i32 to index
      %get3A_325 = arith.constant 32 : index
      %get3A_326 = tpu.vector_load %arg9[%get3A_324, %get3A_325] {strides = array<i32>} : memref<2x128xi32, #tpu.memory_space<vmem>>, vector<16xi32>,
      %broadcast_in_dim3A_327 = arith.constant true
      %broadcast_in_dim3A_328 = vector.broadcast %broadcast_in_dim3A_327 : i1 to vector<16xi1>
      %unique3A_329, %unique3A_330 = tpu.scan_count mask(%broadcast_in_dim3A_328 : vector<16xi1>) value(%get3A_326 : vector<16xi32>) : vector<16xi1>, vector<16xi32>
      %shift_right_logical3A_331 = arith.constant 7 : i32
      %shift_right_logical3A_332 = vector.broadcast %shift_right_logical3A_331 : i32 to vector<16xi32>
      %shift_right_logical3A_333 = arith.shrui %get3A_326, %shift_right_logical3A_332 : vector<16xi32>
      %and3A_334 = arith.constant 127 : i32
      %and3A_335 = vector.broadcast %and3A_334 : i32 to vector<16xi32>
      %and3A_336 = arith.andi %get3A_326, %and3A_335 : vector<16xi32>
      %convert_element_type3A_337 = arith.sitofp %unique3A_330 : vector<16xi32> to vector<16xf32>
      tpu.vector_store_idx %arg12[%shift_right_logical3A_333, %and3A_336], %convert_element_type3A_337 masked %unique3A_329 {add = true} : memref<80x128xf32, #tpu.memory_space<vmem>>[vector<16xi32>, vector<16xi32>], vector<16xf32>, vector<16xi1>
      %get3A_338 = arith.constant 0 : i32
      %get3A_339 = arith.index_cast %get3A_338 : i32 to index
      %get3A_340 = arith.constant 48 : index
      %get3A_341 = tpu.vector_load %arg9[%get3A_339, %get3A_340] {strides = array<i32>} : memref<2x128xi32, #tpu.memory_space<vmem>>, vector<16xi32>,
      %broadcast_in_dim3A_342 = arith.constant true
      %broadcast_in_dim3A_343 = vector.broadcast %broadcast_in_dim3A_342 : i1 to vector<16xi1>
      %unique3A_344, %unique3A_345 = tpu.scan_count mask(%broadcast_in_dim3A_343 : vector<16xi1>) value(%get3A_341 : vector<16xi32>) : vector<16xi1>, vector<16xi32>
      %shift_right_logical3A_346 = arith.constant 7 : i32
      %shift_right_logical3A_347 = vector.broadcast %shift_right_logical3A_346 : i32 to vector<16xi32>
      %shift_right_logical3A_348 = arith.shrui %get3A_341, %shift_right_logical3A_347 : vector<16xi32>
      %and3A_349 = arith.constant 127 : i32
      %and3A_350 = vector.broadcast %and3A_349 : i32 to vector<16xi32>
      %and3A_351 = arith.andi %get3A_341, %and3A_350 : vector<16xi32>
      %convert_element_type3A_352 = arith.sitofp %unique3A_345 : vector<16xi32> to vector<16xf32>
      tpu.vector_store_idx %arg12[%shift_right_logical3A_348, %and3A_351], %convert_element_type3A_352 masked %unique3A_344 {add = true} : memref<80x128xf32, #tpu.memory_space<vmem>>[vector<16xi32>, vector<16xi32>], vector<16xf32>, vector<16xi1>
      %get3A_353 = arith.constant 0 : i32
      %get3A_354 = arith.index_cast %get3A_353 : i32 to index
      %get3A_355 = arith.constant 64 : index
      %get3A_356 = tpu.vector_load %arg9[%get3A_354, %get3A_355] {strides = array<i32>} : memref<2x128xi32, #tpu.memory_space<vmem>>, vector<16xi32>,
      %broadcast_in_dim3A_357 = arith.constant true
      %broadcast_in_dim3A_358 = vector.broadcast %broadcast_in_dim3A_357 : i1 to vector<16xi1>
      %unique3A_359, %unique3A_360 = tpu.scan_count mask(%broadcast_in_dim3A_358 : vector<16xi1>) value(%get3A_356 : vector<16xi32>) : vector<16xi1>, vector<16xi32>
      %shift_right_logical3A_361 = arith.constant 7 : i32
      %shift_right_logical3A_362 = vector.broadcast %shift_right_logical3A_361 : i32 to vector<16xi32>
      %shift_right_logical3A_363 = arith.shrui %get3A_356, %shift_right_logical3A_362 : vector<16xi32>
      %and3A_364 = arith.constant 127 : i32
      %and3A_365 = vector.broadcast %and3A_364 : i32 to vector<16xi32>
      %and3A_366 = arith.andi %get3A_356, %and3A_365 : vector<16xi32>
      %convert_element_type3A_367 = arith.sitofp %unique3A_360 : vector<16xi32> to vector<16xf32>
      tpu.vector_store_idx %arg12[%shift_right_logical3A_363, %and3A_366], %convert_element_type3A_367 masked %unique3A_359 {add = true} : memref<80x128xf32, #tpu.memory_space<vmem>>[vector<16xi32>, vector<16xi32>], vector<16xf32>, vector<16xi1>
      %get3A_368 = arith.constant 0 : i32
      %get3A_369 = arith.index_cast %get3A_368 : i32 to index
      %get3A_370 = arith.constant 80 : index
      %get3A_371 = tpu.vector_load %arg9[%get3A_369, %get3A_370] {strides = array<i32>} : memref<2x128xi32, #tpu.memory_space<vmem>>, vector<16xi32>,
      %broadcast_in_dim3A_372 = arith.constant true
      %broadcast_in_dim3A_373 = vector.broadcast %broadcast_in_dim3A_372 : i1 to vector<16xi1>
      %unique3A_374, %unique3A_375 = tpu.scan_count mask(%broadcast_in_dim3A_373 : vector<16xi1>) value(%get3A_371 : vector<16xi32>) : vector<16xi1>, vector<16xi32>
      %shift_right_logical3A_376 = arith.constant 7 : i32
      %shift_right_logical3A_377 = vector.broadcast %shift_right_logical3A_376 : i32 to vector<16xi32>
      %shift_right_logical3A_378 = arith.shrui %get3A_371, %shift_right_logical3A_377 : vector<16xi32>
      %and3A_379 = arith.constant 127 : i32
      %and3A_380 = vector.broadcast %and3A_379 : i32 to vector<16xi32>
      %and3A_381 = arith.andi %get3A_371, %and3A_380 : vector<16xi32>
      %convert_element_type3A_382 = arith.sitofp %unique3A_375 : vector<16xi32> to vector<16xf32>
      tpu.vector_store_idx %arg12[%shift_right_logical3A_378, %and3A_381], %convert_element_type3A_382 masked %unique3A_374 {add = true} : memref<80x128xf32, #tpu.memory_space<vmem>>[vector<16xi32>, vector<16xi32>], vector<16xf32>, vector<16xi1>
      %get3A_383 = arith.constant 0 : i32
      %get3A_384 = arith.index_cast %get3A_383 : i32 to index
      %get3A_385 = arith.constant 96 : index
      %get3A_386 = tpu.vector_load %arg9[%get3A_384, %get3A_385] {strides = array<i32>} : memref<2x128xi32, #tpu.memory_space<vmem>>, vector<16xi32>,
      %broadcast_in_dim3A_387 = arith.constant true
      %broadcast_in_dim3A_388 = vector.broadcast %broadcast_in_dim3A_387 : i1 to vector<16xi1>
      %unique3A_389, %unique3A_390 = tpu.scan_count mask(%broadcast_in_dim3A_388 : vector<16xi1>) value(%get3A_386 : vector<16xi32>) : vector<16xi1>, vector<16xi32>
      %shift_right_logical3A_391 = arith.constant 7 : i32
      %shift_right_logical3A_392 = vector.broadcast %shift_right_logical3A_391 : i32 to vector<16xi32>
      %shift_right_logical3A_393 = arith.shrui %get3A_386, %shift_right_logical3A_392 : vector<16xi32>
      %and3A_394 = arith.constant 127 : i32
      %and3A_395 = vector.broadcast %and3A_394 : i32 to vector<16xi32>
      %and3A_396 = arith.andi %get3A_386, %and3A_395 : vector<16xi32>
      %convert_element_type3A_397 = arith.sitofp %unique3A_390 : vector<16xi32> to vector<16xf32>
      tpu.vector_store_idx %arg12[%shift_right_logical3A_393, %and3A_396], %convert_element_type3A_397 masked %unique3A_389 {add = true} : memref<80x128xf32, #tpu.memory_space<vmem>>[vector<16xi32>, vector<16xi32>], vector<16xf32>, vector<16xi1>
      %get3A_398 = arith.constant 0 : i32
      %get3A_399 = arith.index_cast %get3A_398 : i32 to index
      %get3A_400 = arith.constant 112 : index
      %get3A_401 = tpu.vector_load %arg9[%get3A_399, %get3A_400] {strides = array<i32>} : memref<2x128xi32, #tpu.memory_space<vmem>>, vector<16xi32>,
      %broadcast_in_dim3A_402 = arith.constant true
      %broadcast_in_dim3A_403 = vector.broadcast %broadcast_in_dim3A_402 : i1 to vector<16xi1>
      %unique3A_404, %unique3A_405 = tpu.scan_count mask(%broadcast_in_dim3A_403 : vector<16xi1>) value(%get3A_401 : vector<16xi32>) : vector<16xi1>, vector<16xi32>
      %shift_right_logical3A_406 = arith.constant 7 : i32
      %shift_right_logical3A_407 = vector.broadcast %shift_right_logical3A_406 : i32 to vector<16xi32>
      %shift_right_logical3A_408 = arith.shrui %get3A_401, %shift_right_logical3A_407 : vector<16xi32>
      %and3A_409 = arith.constant 127 : i32
      %and3A_410 = vector.broadcast %and3A_409 : i32 to vector<16xi32>
      %and3A_411 = arith.andi %get3A_401, %and3A_410 : vector<16xi32>
      %convert_element_type3A_412 = arith.sitofp %unique3A_405 : vector<16xi32> to vector<16xf32>
      tpu.vector_store_idx %arg12[%shift_right_logical3A_408, %and3A_411], %convert_element_type3A_412 masked %unique3A_404 {add = true} : memref<80x128xf32, #tpu.memory_space<vmem>>[vector<16xi32>, vector<16xi32>], vector<16xf32>, vector<16xi1>
      %add3A_413 = arith.constant 2 : i32
      %add3A_414 = arith.addi %mul3A_252, %add3A_413 : i32
      %mul3A_415 = arith.constant 79 : i32
      %mul3A_416 = arith.muli %add3A, %mul3A_415 : i32
      %add3A_417 = arith.addi %mul3A_416, %add3A_414 : i32
      %mul3A_418 = arith.constant 128 : i32
      %mul3A_419 = arith.muli %add3A_417, %mul3A_418 : i32
      %dma_start3A_420 = arith.constant 0 : i32
      %dma_start3A_421 = arith.constant 0 : i32
      %dma_start3A_422 = tpu.memref_slice %arg8[%dma_start3A_420, %dma_start3A_421] : memref<2x128xi32, #tpu.memory_space<vmem>> -> memref<1x128xi32, #tpu.memory_space<vmem>>
      %dma_start3A_423 = tpu.memref_squeeze %dma_start3A_422 : memref<1x128xi32, #tpu.memory_space<vmem>> -> memref<128xi32, #tpu.memory_space<vmem>>
      %dma_start3A_424 = tpu.memref_slice %arg3[%mul3A_419] : memref<323584xi32, #tpu.memory_space<hbm>> -> memref<128xi32, #tpu.memory_space<hbm>>
      %dma_start3A_425 = arith.constant 0 : i32
      %dma_start3A_426 = tpu.memref_slice %arg8[%dma_start3A_420, %dma_start3A_425] : memref<2x128xi32, #tpu.memory_space<vmem>> -> memref<1x128xi32, #tpu.memory_space<vmem>>
      %dma_start3A_427 = tpu.memref_squeeze %dma_start3A_426 : memref<1x128xi32, #tpu.memory_space<vmem>> -> memref<128xi32, #tpu.memory_space<vmem>>
      %dma_start3A_428 = tpu.memref_slice %arg3[%mul3A_419] : memref<323584xi32, #tpu.memory_space<hbm>> -> memref<128xi32, #tpu.memory_space<hbm>>
      tpu.enqueue_dma source(%dma_start3A_428 : memref<128xi32, #tpu.memory_space<hbm>>) target(%dma_start3A_427 : memref<128xi32, #tpu.memory_space<vmem>>) target_semaphore(%arg15 : memref<!tpu.dma_semaphore, #tpu.memory_space<semaphore_mem>>)
      %dma_start3A_429 = arith.constant 0 : i32
      %dma_start3A_430 = arith.constant 0 : i32
      %dma_start3A_431 = tpu.memref_slice %arg9[%dma_start3A_429, %dma_start3A_430] : memref<2x128xi32, #tpu.memory_space<vmem>> -> memref<1x128xi32, #tpu.memory_space<vmem>>
      %dma_start3A_432 = tpu.memref_squeeze %dma_start3A_431 : memref<1x128xi32, #tpu.memory_space<vmem>> -> memref<128xi32, #tpu.memory_space<vmem>>
      %dma_start3A_433 = tpu.memref_slice %arg4[%mul3A_419] : memref<323584xi32, #tpu.memory_space<hbm>> -> memref<128xi32, #tpu.memory_space<hbm>>
      %dma_start3A_434 = arith.constant 0 : i32
      %dma_start3A_435 = tpu.memref_slice %arg9[%dma_start3A_429, %dma_start3A_434] : memref<2x128xi32, #tpu.memory_space<vmem>> -> memref<1x128xi32, #tpu.memory_space<vmem>>
      %dma_start3A_436 = tpu.memref_squeeze %dma_start3A_435 : memref<1x128xi32, #tpu.memory_space<vmem>> -> memref<128xi32, #tpu.memory_space<vmem>>
      %dma_start3A_437 = tpu.memref_slice %arg4[%mul3A_419] : memref<323584xi32, #tpu.memory_space<hbm>> -> memref<128xi32, #tpu.memory_space<hbm>>
      tpu.enqueue_dma source(%dma_start3A_437 : memref<128xi32, #tpu.memory_space<hbm>>) target(%dma_start3A_436 : memref<128xi32, #tpu.memory_space<vmem>>) target_semaphore(%arg15 : memref<!tpu.dma_semaphore, #tpu.memory_space<semaphore_mem>>)
      %dma_wait3A_438 = arith.constant 1 : i32
      %dma_wait3A_439 = arith.constant 0 : i32
      %dma_wait3A_440 = tpu.memref_slice %arg8[%dma_wait3A_438, %dma_wait3A_439] : memref<2x128xi32, #tpu.memory_space<vmem>> -> memref<1x128xi32, #tpu.memory_space<vmem>>
      %dma_wait3A_441 = tpu.memref_squeeze %dma_wait3A_440 : memref<1x128xi32, #tpu.memory_space<vmem>> -> memref<128xi32, #tpu.memory_space<vmem>>
      %dma_wait3A_442 = arith.constant 0 : i32
      %dma_wait3A_443 = arith.constant 0 : i32
      %dma_wait3A_444 = tpu.memref_slice %arg2[%dma_wait3A_442, %dma_wait3A_443] : memref<10000x128xf32, #tpu.memory_space<hbm>> -> memref<10000x128xf32, #tpu.memory_space<hbm>>
      tpu.wait_indirect_dma semaphore(%arg14 : memref<!tpu.dma_semaphore, #tpu.memory_space<semaphore_mem>>) src(%dma_wait3A_444 : memref<10000x128xf32, #tpu.memory_space<hbm>>) dst(%arg11 : memref<128x128xf32, #tpu.memory_space<vmem>>)
      %add3A_445 = arith.constant 2 : i32
      %add3A_446 = arith.addi %mul3A_252, %add3A_445 : i32
      %mul3A_447 = arith.constant 79 : i32
      %mul3A_448 = arith.muli %add3A, %mul3A_447 : i32
      %add3A_449 = arith.addi %mul3A_448, %add3A_446 : i32
      %mul3A_450 = arith.constant 128 : i32
      %mul3A_451 = arith.muli %add3A_449, %mul3A_450 : i32
      %dma_wait3A_452 = arith.constant 0 : i32
      %dma_wait3A_453 = arith.constant 0 : i32
      %dma_wait3A_454 = tpu.memref_slice %arg8[%dma_wait3A_452, %dma_wait3A_453] : memref<2x128xi32, #tpu.memory_space<vmem>> -> memref<1x128xi32, #tpu.memory_space<vmem>>
      %dma_wait3A_455 = tpu.memref_squeeze %dma_wait3A_454 : memref<1x128xi32, #tpu.memory_space<vmem>> -> memref<128xi32, #tpu.memory_space<vmem>>
      %dma_wait3A_456 = tpu.memref_slice %arg3[%mul3A_451] : memref<323584xi32, #tpu.memory_space<hbm>> -> memref<128xi32, #tpu.memory_space<hbm>>
      %dma_wait3A_457 = arith.constant 0 : i32
      %dma_wait3A_458 = tpu.memref_slice %arg8[%dma_wait3A_452, %dma_wait3A_457] : memref<2x128xi32, #tpu.memory_space<vmem>> -> memref<1x128xi32, #tpu.memory_space<vmem>>
      %dma_wait3A_459 = tpu.memref_squeeze %dma_wait3A_458 : memref<1x128xi32, #tpu.memory_space<vmem>> -> memref<128xi32, #tpu.memory_space<vmem>>
      %dma_wait3A_460 = tpu.memref_slice %arg3[%mul3A_451] : memref<323584xi32, #tpu.memory_space<hbm>> -> memref<128xi32, #tpu.memory_space<hbm>>
      tpu.wait_dma2 semaphore(%arg15 : memref<!tpu.dma_semaphore, #tpu.memory_space<semaphore_mem>>) src(%dma_wait3A_460 : memref<128xi32, #tpu.memory_space<hbm>>) dst(%dma_wait3A_459 : memref<128xi32, #tpu.memory_space<vmem>>)
      %dma_wait3A_461 = arith.constant 0 : i32
      %dma_wait3A_462 = arith.constant 0 : i32
      %dma_wait3A_463 = tpu.memref_slice %arg9[%dma_wait3A_461, %dma_wait3A_462] : memref<2x128xi32, #tpu.memory_space<vmem>> -> memref<1x128xi32, #tpu.memory_space<vmem>>
      %dma_wait3A_464 = tpu.memref_squeeze %dma_wait3A_463 : memref<1x128xi32, #tpu.memory_space<vmem>> -> memref<128xi32, #tpu.memory_space<vmem>>
      %dma_wait3A_465 = tpu.memref_slice %arg4[%mul3A_451] : memref<323584xi32, #tpu.memory_space<hbm>> -> memref<128xi32, #tpu.memory_space<hbm>>
      %dma_wait3A_466 = arith.constant 0 : i32
      %dma_wait3A_467 = tpu.memref_slice %arg9[%dma_wait3A_461, %dma_wait3A_466] : memref<2x128xi32, #tpu.memory_space<vmem>> -> memref<1x128xi32, #tpu.memory_space<vmem>>
      %dma_wait3A_468 = tpu.memref_squeeze %dma_wait3A_467 : memref<1x128xi32, #tpu.memory_space<vmem>> -> memref<128xi32, #tpu.memory_space<vmem>>
      %dma_wait3A_469 = tpu.memref_slice %arg4[%mul3A_451] : memref<323584xi32, #tpu.memory_space<hbm>> -> memref<128xi32, #tpu.memory_space<hbm>>
      tpu.wait_dma2 semaphore(%arg15 : memref<!tpu.dma_semaphore, #tpu.memory_space<semaphore_mem>>) src(%dma_wait3A_469 : memref<128xi32, #tpu.memory_space<hbm>>) dst(%dma_wait3A_468 : memref<128xi32, #tpu.memory_space<vmem>>)
      %dma_start3A_470 = arith.constant 0 : i32
      %dma_start3A_471 = arith.constant 0 : i32
      %dma_start3A_472 = tpu.memref_slice %arg8[%dma_start3A_470, %dma_start3A_471] : memref<2x128xi32, #tpu.memory_space<vmem>> -> memref<1x128xi32, #tpu.memory_space<vmem>>
      %dma_start3A_473 = tpu.memref_squeeze %dma_start3A_472 : memref<1x128xi32, #tpu.memory_space<vmem>> -> memref<128xi32, #tpu.memory_space<vmem>>
      %dma_start3A_474 = arith.constant 0 : i32
      %dma_start3A_475 = arith.constant 0 : i32
      %dma_start3A_476 = tpu.memref_slice %arg2[%dma_start3A_474, %dma_start3A_475] : memref<10000x128xf32, #tpu.memory_space<hbm>> -> memref<10000x128xf32, #tpu.memory_space<hbm>>
      tpu.enqueue_indirect_dma source(%dma_start3A_476 : memref<10000x128xf32, #tpu.memory_space<hbm>>) target(%arg10 : memref<128x128xf32, #tpu.memory_space<vmem>>) offsets(%dma_start3A_473 : memref<128xi32, #tpu.memory_space<vmem>>) semaphore(%arg13 : memref<!tpu.dma_semaphore, #tpu.memory_space<semaphore_mem>>)
      %run_scoped3A_477 = arith.constant 1 : i32
      "tpu.region"() ({
        %run_scoped3A_603 = tpu.sem_alloc : memref<!tpu.dma_semaphore, #tpu.memory_space<semaphore_mem>>
        %dma_start3A_604 = arith.constant 0 : i32
        %dma_start3A_605 = tpu.memref_slice %arg9[%run_scoped3A_477, %dma_start3A_604] : memref<2x128xi32, #tpu.memory_space<vmem>> -> memref<1x128xi32, #tpu.memory_space<vmem>>
        %dma_start3A_606 = tpu.memref_squeeze %dma_start3A_605 : memref<1x128xi32, #tpu.memory_space<vmem>> -> memref<128xi32, #tpu.memory_space<vmem>>
        %dma_start3A_607 = arith.constant 0 : i32
        %dma_start3A_608 = arith.constant 0 : i32
        %dma_start3A_609 = tpu.memref_slice %arg7[%dma_start3A_607, %dma_start3A_608] : memref<10016x128xf32, #tpu.memory_space<vmem_shared>> -> memref<10016x128xf32, #tpu.memory_space<vmem_shared>>
        tpu.enqueue_indirect_dma source(%arg11 : memref<128x128xf32, #tpu.memory_space<vmem>>) target(%dma_start3A_609 : memref<10016x128xf32, #tpu.memory_space<vmem_shared>>) offsets(%dma_start3A_606 : memref<128xi32, #tpu.memory_space<vmem>>) semaphore(%run_scoped3A_603 : memref<!tpu.dma_semaphore, #tpu.memory_space<semaphore_mem>>) {add = true}
        %dma_wait3A_610 = arith.constant 0 : i32
        %dma_wait3A_611 = tpu.memref_slice %arg9[%run_scoped3A_477, %dma_wait3A_610] : memref<2x128xi32, #tpu.memory_space<vmem>> -> memref<1x128xi32, #tpu.memory_space<vmem>>
        %dma_wait3A_612 = tpu.memref_squeeze %dma_wait3A_611 : memref<1x128xi32, #tpu.memory_space<vmem>> -> memref<128xi32, #tpu.memory_space<vmem>>
        %dma_wait3A_613 = arith.constant 0 : i32
        %dma_wait3A_614 = arith.constant 0 : i32
        %dma_wait3A_615 = tpu.memref_slice %arg7[%dma_wait3A_613, %dma_wait3A_614] : memref<10016x128xf32, #tpu.memory_space<vmem_shared>> -> memref<10016x128xf32, #tpu.memory_space<vmem_shared>>
        tpu.wait_indirect_dma semaphore(%run_scoped3A_603 : memref<!tpu.dma_semaphore, #tpu.memory_space<semaphore_mem>>) src(%arg11 : memref<128x128xf32, #tpu.memory_space<vmem>>) dst(%dma_wait3A_615 : memref<10016x128xf32, #tpu.memory_space<vmem_shared>>)
        tpu.yield
      }) : () -> ()
      %get3A_478 = arith.constant 1 : i32
      %get3A_479 = arith.index_cast %get3A_478 : i32 to index
      %get3A_480 = arith.constant 0 : index
      %get3A_481 = tpu.vector_load %arg9[%get3A_479, %get3A_480] {strides = array<i32>} : memref<2x128xi32, #tpu.memory_space<vmem>>, vector<16xi32>,
      %broadcast_in_dim3A_482 = arith.constant true
      %broadcast_in_dim3A_483 = vector.broadcast %broadcast_in_dim3A_482 : i1 to vector<16xi1>
      %unique3A_484, %unique3A_485 = tpu.scan_count mask(%broadcast_in_dim3A_483 : vector<16xi1>) value(%get3A_481 : vector<16xi32>) : vector<16xi1>, vector<16xi32>
      %shift_right_logical3A_486 = arith.constant 7 : i32
      %shift_right_logical3A_487 = vector.broadcast %shift_right_logical3A_486 : i32 to vector<16xi32>
      %shift_right_logical3A_488 = arith.shrui %get3A_481, %shift_right_logical3A_487 : vector<16xi32>
      %and3A_489 = arith.constant 127 : i32
      %and3A_490 = vector.broadcast %and3A_489 : i32 to vector<16xi32>
      %and3A_491 = arith.andi %get3A_481, %and3A_490 : vector<16xi32>
      %convert_element_type3A_492 = arith.sitofp %unique3A_485 : vector<16xi32> to vector<16xf32>
      tpu.vector_store_idx %arg12[%shift_right_logical3A_488, %and3A_491], %convert_element_type3A_492 masked %unique3A_484 {add = true} : memref<80x128xf32, #tpu.memory_space<vmem>>[vector<16xi32>, vector<16xi32>], vector<16xf32>, vector<16xi1>
      %get3A_493 = arith.constant 1 : i32
      %get3A_494 = arith.index_cast %get3A_493 : i32 to index
      %get3A_495 = arith.constant 16 : index
      %get3A_496 = tpu.vector_load %arg9[%get3A_494, %get3A_495] {strides = array<i32>} : memref<2x128xi32, #tpu.memory_space<vmem>>, vector<16xi32>,
      %broadcast_in_dim3A_497 = arith.constant true
      %broadcast_in_dim3A_498 = vector.broadcast %broadcast_in_dim3A_497 : i1 to vector<16xi1>
      %unique3A_499, %unique3A_500 = tpu.scan_count mask(%broadcast_in_dim3A_498 : vector<16xi1>) value(%get3A_496 : vector<16xi32>) : vector<16xi1>, vector<16xi32>
      %shift_right_logical3A_501 = arith.constant 7 : i32
      %shift_right_logical3A_502 = vector.broadcast %shift_right_logical3A_501 : i32 to vector<16xi32>
      %shift_right_logical3A_503 = arith.shrui %get3A_496, %shift_right_logical3A_502 : vector<16xi32>
      %and3A_504 = arith.constant 127 : i32
      %and3A_505 = vector.broadcast %and3A_504 : i32 to vector<16xi32>
      %and3A_506 = arith.andi %get3A_496, %and3A_505 : vector<16xi32>
      %convert_element_type3A_507 = arith.sitofp %unique3A_500 : vector<16xi32> to vector<16xf32>
      tpu.vector_store_idx %arg12[%shift_right_logical3A_503, %and3A_506], %convert_element_type3A_507 masked %unique3A_499 {add = true} : memref<80x128xf32, #tpu.memory_space<vmem>>[vector<16xi32>, vector<16xi32>], vector<16xf32>, vector<16xi1>
      %get3A_508 = arith.constant 1 : i32
      %get3A_509 = arith.index_cast %get3A_508 : i32 to index
      %get3A_510 = arith.constant 32 : index
      %get3A_511 = tpu.vector_load %arg9[%get3A_509, %get3A_510] {strides = array<i32>} : memref<2x128xi32, #tpu.memory_space<vmem>>, vector<16xi32>,
      %broadcast_in_dim3A_512 = arith.constant true
      %broadcast_in_dim3A_513 = vector.broadcast %broadcast_in_dim3A_512 : i1 to vector<16xi1>
      %unique3A_514, %unique3A_515 = tpu.scan_count mask(%broadcast_in_dim3A_513 : vector<16xi1>) value(%get3A_511 : vector<16xi32>) : vector<16xi1>, vector<16xi32>
      %shift_right_logical3A_516 = arith.constant 7 : i32
      %shift_right_logical3A_517 = vector.broadcast %shift_right_logical3A_516 : i32 to vector<16xi32>
      %shift_right_logical3A_518 = arith.shrui %get3A_511, %shift_right_logical3A_517 : vector<16xi32>
      %and3A_519 = arith.constant 127 : i32
      %and3A_520 = vector.broadcast %and3A_519 : i32 to vector<16xi32>
      %and3A_521 = arith.andi %get3A_511, %and3A_520 : vector<16xi32>
      %convert_element_type3A_522 = arith.sitofp %unique3A_515 : vector<16xi32> to vector<16xf32>
      tpu.vector_store_idx %arg12[%shift_right_logical3A_518, %and3A_521], %convert_element_type3A_522 masked %unique3A_514 {add = true} : memref<80x128xf32, #tpu.memory_space<vmem>>[vector<16xi32>, vector<16xi32>], vector<16xf32>, vector<16xi1>
      %get3A_523 = arith.constant 1 : i32
      %get3A_524 = arith.index_cast %get3A_523 : i32 to index
      %get3A_525 = arith.constant 48 : index
      %get3A_526 = tpu.vector_load %arg9[%get3A_524, %get3A_525] {strides = array<i32>} : memref<2x128xi32, #tpu.memory_space<vmem>>, vector<16xi32>,
      %broadcast_in_dim3A_527 = arith.constant true
      %broadcast_in_dim3A_528 = vector.broadcast %broadcast_in_dim3A_527 : i1 to vector<16xi1>
      %unique3A_529, %unique3A_530 = tpu.scan_count mask(%broadcast_in_dim3A_528 : vector<16xi1>) value(%get3A_526 : vector<16xi32>) : vector<16xi1>, vector<16xi32>
      %shift_right_logical3A_531 = arith.constant 7 : i32
      %shift_right_logical3A_532 = vector.broadcast %shift_right_logical3A_531 : i32 to vector<16xi32>
      %shift_right_logical3A_533 = arith.shrui %get3A_526, %shift_right_logical3A_532 : vector<16xi32>
      %and3A_534 = arith.constant 127 : i32
      %and3A_535 = vector.broadcast %and3A_534 : i32 to vector<16xi32>
      %and3A_536 = arith.andi %get3A_526, %and3A_535 : vector<16xi32>
      %convert_element_type3A_537 = arith.sitofp %unique3A_530 : vector<16xi32> to vector<16xf32>
      tpu.vector_store_idx %arg12[%shift_right_logical3A_533, %and3A_536], %convert_element_type3A_537 masked %unique3A_529 {add = true} : memref<80x128xf32, #tpu.memory_space<vmem>>[vector<16xi32>, vector<16xi32>], vector<16xf32>, vector<16xi1>
      %get3A_538 = arith.constant 1 : i32
      %get3A_539 = arith.index_cast %get3A_538 : i32 to index
      %get3A_540 = arith.constant 64 : index
      %get3A_541 = tpu.vector_load %arg9[%get3A_539, %get3A_540] {strides = array<i32>} : memref<2x128xi32, #tpu.memory_space<vmem>>, vector<16xi32>,
      %broadcast_in_dim3A_542 = arith.constant true
      %broadcast_in_dim3A_543 = vector.broadcast %broadcast_in_dim3A_542 : i1 to vector<16xi1>
      %unique3A_544, %unique3A_545 = tpu.scan_count mask(%broadcast_in_dim3A_543 : vector<16xi1>) value(%get3A_541 : vector<16xi32>) : vector<16xi1>, vector<16xi32>
      %shift_right_logical3A_546 = arith.constant 7 : i32
      %shift_right_logical3A_547 = vector.broadcast %shift_right_logical3A_546 : i32 to vector<16xi32>
      %shift_right_logical3A_548 = arith.shrui %get3A_541, %shift_right_logical3A_547 : vector<16xi32>
      %and3A_549 = arith.constant 127 : i32
      %and3A_550 = vector.broadcast %and3A_549 : i32 to vector<16xi32>
      %and3A_551 = arith.andi %get3A_541, %and3A_550 : vector<16xi32>
      %convert_element_type3A_552 = arith.sitofp %unique3A_545 : vector<16xi32> to vector<16xf32>
      tpu.vector_store_idx %arg12[%shift_right_logical3A_548, %and3A_551], %convert_element_type3A_552 masked %unique3A_544 {add = true} : memref<80x128xf32, #tpu.memory_space<vmem>>[vector<16xi32>, vector<16xi32>], vector<16xf32>, vector<16xi1>
      %get3A_553 = arith.constant 1 : i32
      %get3A_554 = arith.index_cast %get3A_553 : i32 to index
      %get3A_555 = arith.constant 80 : index
      %get3A_556 = tpu.vector_load %arg9[%get3A_554, %get3A_555] {strides = array<i32>} : memref<2x128xi32, #tpu.memory_space<vmem>>, vector<16xi32>,
      %broadcast_in_dim3A_557 = arith.constant true
      %broadcast_in_dim3A_558 = vector.broadcast %broadcast_in_dim3A_557 : i1 to vector<16xi1>
      %unique3A_559, %unique3A_560 = tpu.scan_count mask(%broadcast_in_dim3A_558 : vector<16xi1>) value(%get3A_556 : vector<16xi32>) : vector<16xi1>, vector<16xi32>
      %shift_right_logical3A_561 = arith.constant 7 : i32
      %shift_right_logical3A_562 = vector.broadcast %shift_right_logical3A_561 : i32 to vector<16xi32>
      %shift_right_logical3A_563 = arith.shrui %get3A_556, %shift_right_logical3A_562 : vector<16xi32>
      %and3A_564 = arith.constant 127 : i32
      %and3A_565 = vector.broadcast %and3A_564 : i32 to vector<16xi32>
      %and3A_566 = arith.andi %get3A_556, %and3A_565 : vector<16xi32>
      %convert_element_type3A_567 = arith.sitofp %unique3A_560 : vector<16xi32> to vector<16xf32>
      tpu.vector_store_idx %arg12[%shift_right_logical3A_563, %and3A_566], %convert_element_type3A_567 masked %unique3A_559 {add = true} : memref<80x128xf32, #tpu.memory_space<vmem>>[vector<16xi32>, vector<16xi32>], vector<16xf32>, vector<16xi1>
      %get3A_568 = arith.constant 1 : i32
      %get3A_569 = arith.index_cast %get3A_568 : i32 to index
      %get3A_570 = arith.constant 96 : index
      %get3A_571 = tpu.vector_load %arg9[%get3A_569, %get3A_570] {strides = array<i32>} : memref<2x128xi32, #tpu.memory_space<vmem>>, vector<16xi32>,
      %broadcast_in_dim3A_572 = arith.constant true
      %broadcast_in_dim3A_573 = vector.broadcast %broadcast_in_dim3A_572 : i1 to vector<16xi1>
      %unique3A_574, %unique3A_575 = tpu.scan_count mask(%broadcast_in_dim3A_573 : vector<16xi1>) value(%get3A_571 : vector<16xi32>) : vector<16xi1>, vector<16xi32>
      %shift_right_logical3A_576 = arith.constant 7 : i32
      %shift_right_logical3A_577 = vector.broadcast %shift_right_logical3A_576 : i32 to vector<16xi32>
      %shift_right_logical3A_578 = arith.shrui %get3A_571, %shift_right_logical3A_577 : vector<16xi32>
      %and3A_579 = arith.constant 127 : i32
      %and3A_580 = vector.broadcast %and3A_579 : i32 to vector<16xi32>
      %and3A_581 = arith.andi %get3A_571, %and3A_580 : vector<16xi32>
      %convert_element_type3A_582 = arith.sitofp %unique3A_575 : vector<16xi32> to vector<16xf32>
      tpu.vector_store_idx %arg12[%shift_right_logical3A_578, %and3A_581], %convert_element_type3A_582 masked %unique3A_574 {add = true} : memref<80x128xf32, #tpu.memory_space<vmem>>[vector<16xi32>, vector<16xi32>], vector<16xf32>, vector<16xi1>
      %get3A_583 = arith.constant 1 : i32
      %get3A_584 = arith.index_cast %get3A_583 : i32 to index
      %get3A_585 = arith.constant 112 : index
      %get3A_586 = tpu.vector_load %arg9[%get3A_584, %get3A_585] {strides = array<i32>} : memref<2x128xi32, #tpu.memory_space<vmem>>, vector<16xi32>,
      %broadcast_in_dim3A_587 = arith.constant true
      %broadcast_in_dim3A_588 = vector.broadcast %broadcast_in_dim3A_587 : i1 to vector<16xi1>
      %unique3A_589, %unique3A_590 = tpu.scan_count mask(%broadcast_in_dim3A_588 : vector<16xi1>) value(%get3A_586 : vector<16xi32>) : vector<16xi1>, vector<16xi32>
      %shift_right_logical3A_591 = arith.constant 7 : i32
      %shift_right_logical3A_592 = vector.broadcast %shift_right_logical3A_591 : i32 to vector<16xi32>
      %shift_right_logical3A_593 = arith.shrui %get3A_586, %shift_right_logical3A_592 : vector<16xi32>
      %and3A_594 = arith.constant 127 : i32
      %and3A_595 = vector.broadcast %and3A_594 : i32 to vector<16xi32>
      %and3A_596 = arith.andi %get3A_586, %and3A_595 : vector<16xi32>
      %convert_element_type3A_597 = arith.sitofp %unique3A_590 : vector<16xi32> to vector<16xf32>
      tpu.vector_store_idx %arg12[%shift_right_logical3A_593, %and3A_596], %convert_element_type3A_597 masked %unique3A_589 {add = true} : memref<80x128xf32, #tpu.memory_space<vmem>>[vector<16xi32>, vector<16xi32>], vector<16xf32>, vector<16xi1>
      %lt3A = arith.constant 38 : i32
      %lt3A_598 = arith.cmpi slt, %scan3A_249, %lt3A : i32
      %convert_element_type3A_599 = arith.extui %lt3A_598 : i1 to i32
      %cond3A_600 = arith.constant 0 : i32
      %cond3A_601 = arith.cmpi ne, %convert_element_type3A_599, %cond3A_600 : i32
      scf.if %cond3A_601 {
        %add3A_603 = arith.constant 3 : i32
        %add3A_604 = arith.addi %mul3A_252, %add3A_603 : i32
        %mul3A_605 = arith.constant 79 : i32
        %mul3A_606 = arith.muli %add3A, %mul3A_605 : i32
        %add3A_607 = arith.addi %mul3A_606, %add3A_604 : i32
        %mul3A_608 = arith.constant 128 : i32
        %mul3A_609 = arith.muli %add3A_607, %mul3A_608 : i32
        %dma_start3A_610 = arith.constant 1 : i32
        %dma_start3A_611 = arith.constant 0 : i32
        %dma_start3A_612 = tpu.memref_slice %arg8[%dma_start3A_610, %dma_start3A_611] : memref<2x128xi32, #tpu.memory_space<vmem>> -> memref<1x128xi32, #tpu.memory_space<vmem>>
        %dma_start3A_613 = tpu.memref_squeeze %dma_start3A_612 : memref<1x128xi32, #tpu.memory_space<vmem>> -> memref<128xi32, #tpu.memory_space<vmem>>
        %dma_start3A_614 = tpu.memref_slice %arg3[%mul3A_609] : memref<323584xi32, #tpu.memory_space<hbm>> -> memref<128xi32, #tpu.memory_space<hbm>>
        %dma_start3A_615 = arith.constant 0 : i32
        %dma_start3A_616 = tpu.memref_slice %arg8[%dma_start3A_610, %dma_start3A_615] : memref<2x128xi32, #tpu.memory_space<vmem>> -> memref<1x128xi32, #tpu.memory_space<vmem>>
        %dma_start3A_617 = tpu.memref_squeeze %dma_start3A_616 : memref<1x128xi32, #tpu.memory_space<vmem>> -> memref<128xi32, #tpu.memory_space<vmem>>
        %dma_start3A_618 = tpu.memref_slice %arg3[%mul3A_609] : memref<323584xi32, #tpu.memory_space<hbm>> -> memref<128xi32, #tpu.memory_space<hbm>>
        tpu.enqueue_dma source(%dma_start3A_618 : memref<128xi32, #tpu.memory_space<hbm>>) target(%dma_start3A_617 : memref<128xi32, #tpu.memory_space<vmem>>) target_semaphore(%arg16 : memref<!tpu.dma_semaphore, #tpu.memory_space<semaphore_mem>>)
        %dma_start3A_619 = arith.constant 1 : i32
        %dma_start3A_620 = arith.constant 0 : i32
        %dma_start3A_621 = tpu.memref_slice %arg9[%dma_start3A_619, %dma_start3A_620] : memref<2x128xi32, #tpu.memory_space<vmem>> -> memref<1x128xi32, #tpu.memory_space<vmem>>
        %dma_start3A_622 = tpu.memref_squeeze %dma_start3A_621 : memref<1x128xi32, #tpu.memory_space<vmem>> -> memref<128xi32, #tpu.memory_space<vmem>>
        %dma_start3A_623 = tpu.memref_slice %arg4[%mul3A_609] : memref<323584xi32, #tpu.memory_space<hbm>> -> memref<128xi32, #tpu.memory_space<hbm>>
        %dma_start3A_624 = arith.constant 0 : i32
        %dma_start3A_625 = tpu.memref_slice %arg9[%dma_start3A_619, %dma_start3A_624] : memref<2x128xi32, #tpu.memory_space<vmem>> -> memref<1x128xi32, #tpu.memory_space<vmem>>
        %dma_start3A_626 = tpu.memref_squeeze %dma_start3A_625 : memref<1x128xi32, #tpu.memory_space<vmem>> -> memref<128xi32, #tpu.memory_space<vmem>>
        %dma_start3A_627 = tpu.memref_slice %arg4[%mul3A_609] : memref<323584xi32, #tpu.memory_space<hbm>> -> memref<128xi32, #tpu.memory_space<hbm>>
        tpu.enqueue_dma source(%dma_start3A_627 : memref<128xi32, #tpu.memory_space<hbm>>) target(%dma_start3A_626 : memref<128xi32, #tpu.memory_space<vmem>>) target_semaphore(%arg16 : memref<!tpu.dma_semaphore, #tpu.memory_space<semaphore_mem>>)
      } else {
      }
      %scan3A_602 = arith.constant 0 : i32
      scf.yield %scan3A_602 : i32
    }
    %scan3A_120 = arith.constant 39 : i32
    %dma_wait3A_121 = arith.constant 0 : i32
    %dma_wait3A_122 = arith.constant 0 : i32
    %dma_wait3A_123 = tpu.memref_slice %arg8[%dma_wait3A_121, %dma_wait3A_122] : memref<2x128xi32, #tpu.memory_space<vmem>> -> memref<1x128xi32, #tpu.memory_space<vmem>>
    %dma_wait3A_124 = tpu.memref_squeeze %dma_wait3A_123 : memref<1x128xi32, #tpu.memory_space<vmem>> -> memref<128xi32, #tpu.memory_space<vmem>>
    %dma_wait3A_125 = arith.constant 0 : i32
    %dma_wait3A_126 = arith.constant 0 : i32
    %dma_wait3A_127 = tpu.memref_slice %arg2[%dma_wait3A_125, %dma_wait3A_126] : memref<10000x128xf32, #tpu.memory_space<hbm>> -> memref<10000x128xf32, #tpu.memory_space<hbm>>
    tpu.wait_indirect_dma semaphore(%arg13 : memref<!tpu.dma_semaphore, #tpu.memory_space<semaphore_mem>>) src(%dma_wait3A_127 : memref<10000x128xf32, #tpu.memory_space<hbm>>) dst(%arg10 : memref<128x128xf32, #tpu.memory_space<vmem>>)
    %run_scoped3A = arith.constant 0 : i32
    "tpu.region"() ({
      %run_scoped3A_249 = tpu.sem_alloc : memref<!tpu.dma_semaphore, #tpu.memory_space<semaphore_mem>>
      %dma_start3A_250 = arith.constant 0 : i32
      %dma_start3A_251 = tpu.memref_slice %arg9[%run_scoped3A, %dma_start3A_250] : memref<2x128xi32, #tpu.memory_space<vmem>> -> memref<1x128xi32, #tpu.memory_space<vmem>>
      %dma_start3A_252 = tpu.memref_squeeze %dma_start3A_251 : memref<1x128xi32, #tpu.memory_space<vmem>> -> memref<128xi32, #tpu.memory_space<vmem>>
      %dma_start3A_253 = arith.constant 0 : i32
      %dma_start3A_254 = arith.constant 0 : i32
      %dma_start3A_255 = tpu.memref_slice %arg7[%dma_start3A_253, %dma_start3A_254] : memref<10016x128xf32, #tpu.memory_space<vmem_shared>> -> memref<10016x128xf32, #tpu.memory_space<vmem_shared>>
      tpu.enqueue_indirect_dma source(%arg10 : memref<128x128xf32, #tpu.memory_space<vmem>>) target(%dma_start3A_255 : memref<10016x128xf32, #tpu.memory_space<vmem_shared>>) offsets(%dma_start3A_252 : memref<128xi32, #tpu.memory_space<vmem>>) semaphore(%run_scoped3A_249 : memref<!tpu.dma_semaphore, #tpu.memory_space<semaphore_mem>>) {add = true}
      %dma_wait3A_256 = arith.constant 0 : i32
      %dma_wait3A_257 = tpu.memref_slice %arg9[%run_scoped3A, %dma_wait3A_256] : memref<2x128xi32, #tpu.memory_space<vmem>> -> memref<1x128xi32, #tpu.memory_space<vmem>>
      %dma_wait3A_258 = tpu.memref_squeeze %dma_wait3A_257 : memref<1x128xi32, #tpu.memory_space<vmem>> -> memref<128xi32, #tpu.memory_space<vmem>>
      %dma_wait3A_259 = arith.constant 0 : i32
      %dma_wait3A_260 = arith.constant 0 : i32
      %dma_wait3A_261 = tpu.memref_slice %arg7[%dma_wait3A_259, %dma_wait3A_260] : memref<10016x128xf32, #tpu.memory_space<vmem_shared>> -> memref<10016x128xf32, #tpu.memory_space<vmem_shared>>
      tpu.wait_indirect_dma semaphore(%run_scoped3A_249 : memref<!tpu.dma_semaphore, #tpu.memory_space<semaphore_mem>>) src(%arg10 : memref<128x128xf32, #tpu.memory_space<vmem>>) dst(%dma_wait3A_261 : memref<10016x128xf32, #tpu.memory_space<vmem_shared>>)
      tpu.yield
    }) : () -> ()
    %get3A = arith.constant 0 : i32
    %get3A_128 = arith.index_cast %get3A : i32 to index
    %get3A_129 = arith.constant 0 : index
    %get3A_130 = tpu.vector_load %arg9[%get3A_128, %get3A_129] {strides = array<i32>} : memref<2x128xi32, #tpu.memory_space<vmem>>, vector<16xi32>,
    %broadcast_in_dim3A_131 = arith.constant true
    %broadcast_in_dim3A_132 = vector.broadcast %broadcast_in_dim3A_131 : i1 to vector<16xi1>
    %unique3A, %unique3A_133 = tpu.scan_count mask(%broadcast_in_dim3A_132 : vector<16xi1>) value(%get3A_130 : vector<16xi32>) : vector<16xi1>, vector<16xi32>
    %shift_right_logical3A = arith.constant 7 : i32
    %shift_right_logical3A_134 = vector.broadcast %shift_right_logical3A : i32 to vector<16xi32>
    %shift_right_logical3A_135 = arith.shrui %get3A_130, %shift_right_logical3A_134 : vector<16xi32>
    %and3A = arith.constant 127 : i32
    %and3A_136 = vector.broadcast %and3A : i32 to vector<16xi32>
    %and3A_137 = arith.andi %get3A_130, %and3A_136 : vector<16xi32>
    %convert_element_type3A_138 = arith.sitofp %unique3A_133 : vector<16xi32> to vector<16xf32>
    tpu.vector_store_idx %arg12[%shift_right_logical3A_135, %and3A_137], %convert_element_type3A_138 masked %unique3A {add = true} : memref<80x128xf32, #tpu.memory_space<vmem>>[vector<16xi32>, vector<16xi32>], vector<16xf32>, vector<16xi1>
    %get3A_139 = arith.constant 0 : i32
    %get3A_140 = arith.index_cast %get3A_139 : i32 to index
    %get3A_141 = arith.constant 16 : index
    %get3A_142 = tpu.vector_load %arg9[%get3A_140, %get3A_141] {strides = array<i32>} : memref<2x128xi32, #tpu.memory_space<vmem>>, vector<16xi32>,
    %broadcast_in_dim3A_143 = arith.constant true
    %broadcast_in_dim3A_144 = vector.broadcast %broadcast_in_dim3A_143 : i1 to vector<16xi1>
    %unique3A_145, %unique3A_146 = tpu.scan_count mask(%broadcast_in_dim3A_144 : vector<16xi1>) value(%get3A_142 : vector<16xi32>) : vector<16xi1>, vector<16xi32>
    %shift_right_logical3A_147 = arith.constant 7 : i32
    %shift_right_logical3A_148 = vector.broadcast %shift_right_logical3A_147 : i32 to vector<16xi32>
    %shift_right_logical3A_149 = arith.shrui %get3A_142, %shift_right_logical3A_148 : vector<16xi32>
    %and3A_150 = arith.constant 127 : i32
    %and3A_151 = vector.broadcast %and3A_150 : i32 to vector<16xi32>
    %and3A_152 = arith.andi %get3A_142, %and3A_151 : vector<16xi32>
    %convert_element_type3A_153 = arith.sitofp %unique3A_146 : vector<16xi32> to vector<16xf32>
    tpu.vector_store_idx %arg12[%shift_right_logical3A_149, %and3A_152], %convert_element_type3A_153 masked %unique3A_145 {add = true} : memref<80x128xf32, #tpu.memory_space<vmem>>[vector<16xi32>, vector<16xi32>], vector<16xf32>, vector<16xi1>
    %get3A_154 = arith.constant 0 : i32
    %get3A_155 = arith.index_cast %get3A_154 : i32 to index
    %get3A_156 = arith.constant 32 : index
    %get3A_157 = tpu.vector_load %arg9[%get3A_155, %get3A_156] {strides = array<i32>} : memref<2x128xi32, #tpu.memory_space<vmem>>, vector<16xi32>,
    %broadcast_in_dim3A_158 = arith.constant true
    %broadcast_in_dim3A_159 = vector.broadcast %broadcast_in_dim3A_158 : i1 to vector<16xi1>
    %unique3A_160, %unique3A_161 = tpu.scan_count mask(%broadcast_in_dim3A_159 : vector<16xi1>) value(%get3A_157 : vector<16xi32>) : vector<16xi1>, vector<16xi32>
    %shift_right_logical3A_162 = arith.constant 7 : i32
    %shift_right_logical3A_163 = vector.broadcast %shift_right_logical3A_162 : i32 to vector<16xi32>
    %shift_right_logical3A_164 = arith.shrui %get3A_157, %shift_right_logical3A_163 : vector<16xi32>
    %and3A_165 = arith.constant 127 : i32
    %and3A_166 = vector.broadcast %and3A_165 : i32 to vector<16xi32>
    %and3A_167 = arith.andi %get3A_157, %and3A_166 : vector<16xi32>
    %convert_element_type3A_168 = arith.sitofp %unique3A_161 : vector<16xi32> to vector<16xf32>
    tpu.vector_store_idx %arg12[%shift_right_logical3A_164, %and3A_167], %convert_element_type3A_168 masked %unique3A_160 {add = true} : memref<80x128xf32, #tpu.memory_space<vmem>>[vector<16xi32>, vector<16xi32>], vector<16xf32>, vector<16xi1>
    %get3A_169 = arith.constant 0 : i32
    %get3A_170 = arith.index_cast %get3A_169 : i32 to index
    %get3A_171 = arith.constant 48 : index
    %get3A_172 = tpu.vector_load %arg9[%get3A_170, %get3A_171] {strides = array<i32>} : memref<2x128xi32, #tpu.memory_space<vmem>>, vector<16xi32>,
    %broadcast_in_dim3A_173 = arith.constant true
    %broadcast_in_dim3A_174 = vector.broadcast %broadcast_in_dim3A_173 : i1 to vector<16xi1>
    %unique3A_175, %unique3A_176 = tpu.scan_count mask(%broadcast_in_dim3A_174 : vector<16xi1>) value(%get3A_172 : vector<16xi32>) : vector<16xi1>, vector<16xi32>
    %shift_right_logical3A_177 = arith.constant 7 : i32
    %shift_right_logical3A_178 = vector.broadcast %shift_right_logical3A_177 : i32 to vector<16xi32>
    %shift_right_logical3A_179 = arith.shrui %get3A_172, %shift_right_logical3A_178 : vector<16xi32>
    %and3A_180 = arith.constant 127 : i32
    %and3A_181 = vector.broadcast %and3A_180 : i32 to vector<16xi32>
    %and3A_182 = arith.andi %get3A_172, %and3A_181 : vector<16xi32>
    %convert_element_type3A_183 = arith.sitofp %unique3A_176 : vector<16xi32> to vector<16xf32>
    tpu.vector_store_idx %arg12[%shift_right_logical3A_179, %and3A_182], %convert_element_type3A_183 masked %unique3A_175 {add = true} : memref<80x128xf32, #tpu.memory_space<vmem>>[vector<16xi32>, vector<16xi32>], vector<16xf32>, vector<16xi1>
    %get3A_184 = arith.constant 0 : i32
    %get3A_185 = arith.index_cast %get3A_184 : i32 to index
    %get3A_186 = arith.constant 64 : index
    %get3A_187 = tpu.vector_load %arg9[%get3A_185, %get3A_186] {strides = array<i32>} : memref<2x128xi32, #tpu.memory_space<vmem>>, vector<16xi32>,
    %broadcast_in_dim3A_188 = arith.constant true
    %broadcast_in_dim3A_189 = vector.broadcast %broadcast_in_dim3A_188 : i1 to vector<16xi1>
    %unique3A_190, %unique3A_191 = tpu.scan_count mask(%broadcast_in_dim3A_189 : vector<16xi1>) value(%get3A_187 : vector<16xi32>) : vector<16xi1>, vector<16xi32>
    %shift_right_logical3A_192 = arith.constant 7 : i32
    %shift_right_logical3A_193 = vector.broadcast %shift_right_logical3A_192 : i32 to vector<16xi32>
    %shift_right_logical3A_194 = arith.shrui %get3A_187, %shift_right_logical3A_193 : vector<16xi32>
    %and3A_195 = arith.constant 127 : i32
    %and3A_196 = vector.broadcast %and3A_195 : i32 to vector<16xi32>
    %and3A_197 = arith.andi %get3A_187, %and3A_196 : vector<16xi32>
    %convert_element_type3A_198 = arith.sitofp %unique3A_191 : vector<16xi32> to vector<16xf32>
    tpu.vector_store_idx %arg12[%shift_right_logical3A_194, %and3A_197], %convert_element_type3A_198 masked %unique3A_190 {add = true} : memref<80x128xf32, #tpu.memory_space<vmem>>[vector<16xi32>, vector<16xi32>], vector<16xf32>, vector<16xi1>
    %get3A_199 = arith.constant 0 : i32
    %get3A_200 = arith.index_cast %get3A_199 : i32 to index
    %get3A_201 = arith.constant 80 : index
    %get3A_202 = tpu.vector_load %arg9[%get3A_200, %get3A_201] {strides = array<i32>} : memref<2x128xi32, #tpu.memory_space<vmem>>, vector<16xi32>,
    %broadcast_in_dim3A_203 = arith.constant true
    %broadcast_in_dim3A_204 = vector.broadcast %broadcast_in_dim3A_203 : i1 to vector<16xi1>
    %unique3A_205, %unique3A_206 = tpu.scan_count mask(%broadcast_in_dim3A_204 : vector<16xi1>) value(%get3A_202 : vector<16xi32>) : vector<16xi1>, vector<16xi32>
    %shift_right_logical3A_207 = arith.constant 7 : i32
    %shift_right_logical3A_208 = vector.broadcast %shift_right_logical3A_207 : i32 to vector<16xi32>
    %shift_right_logical3A_209 = arith.shrui %get3A_202, %shift_right_logical3A_208 : vector<16xi32>
    %and3A_210 = arith.constant 127 : i32
    %and3A_211 = vector.broadcast %and3A_210 : i32 to vector<16xi32>
    %and3A_212 = arith.andi %get3A_202, %and3A_211 : vector<16xi32>
    %convert_element_type3A_213 = arith.sitofp %unique3A_206 : vector<16xi32> to vector<16xf32>
    tpu.vector_store_idx %arg12[%shift_right_logical3A_209, %and3A_212], %convert_element_type3A_213 masked %unique3A_205 {add = true} : memref<80x128xf32, #tpu.memory_space<vmem>>[vector<16xi32>, vector<16xi32>], vector<16xf32>, vector<16xi1>
    %get3A_214 = arith.constant 0 : i32
    %get3A_215 = arith.index_cast %get3A_214 : i32 to index
    %get3A_216 = arith.constant 96 : index
    %get3A_217 = tpu.vector_load %arg9[%get3A_215, %get3A_216] {strides = array<i32>} : memref<2x128xi32, #tpu.memory_space<vmem>>, vector<16xi32>,
    %broadcast_in_dim3A_218 = arith.constant true
    %broadcast_in_dim3A_219 = vector.broadcast %broadcast_in_dim3A_218 : i1 to vector<16xi1>
    %unique3A_220, %unique3A_221 = tpu.scan_count mask(%broadcast_in_dim3A_219 : vector<16xi1>) value(%get3A_217 : vector<16xi32>) : vector<16xi1>, vector<16xi32>
    %shift_right_logical3A_222 = arith.constant 7 : i32
    %shift_right_logical3A_223 = vector.broadcast %shift_right_logical3A_222 : i32 to vector<16xi32>
    %shift_right_logical3A_224 = arith.shrui %get3A_217, %shift_right_logical3A_223 : vector<16xi32>
    %and3A_225 = arith.constant 127 : i32
    %and3A_226 = vector.broadcast %and3A_225 : i32 to vector<16xi32>
    %and3A_227 = arith.andi %get3A_217, %and3A_226 : vector<16xi32>
    %convert_element_type3A_228 = arith.sitofp %unique3A_221 : vector<16xi32> to vector<16xf32>
    tpu.vector_store_idx %arg12[%shift_right_logical3A_224, %and3A_227], %convert_element_type3A_228 masked %unique3A_220 {add = true} : memref<80x128xf32, #tpu.memory_space<vmem>>[vector<16xi32>, vector<16xi32>], vector<16xf32>, vector<16xi1>
    %get3A_229 = arith.constant 0 : i32
    %get3A_230 = arith.index_cast %get3A_229 : i32 to index
    %get3A_231 = arith.constant 112 : index
    %get3A_232 = tpu.vector_load %arg9[%get3A_230, %get3A_231] {strides = array<i32>} : memref<2x128xi32, #tpu.memory_space<vmem>>, vector<16xi32>,
    %broadcast_in_dim3A_233 = arith.constant true
    %broadcast_in_dim3A_234 = vector.broadcast %broadcast_in_dim3A_233 : i1 to vector<16xi1>
    %unique3A_235, %unique3A_236 = tpu.scan_count mask(%broadcast_in_dim3A_234 : vector<16xi1>) value(%get3A_232 : vector<16xi32>) : vector<16xi1>, vector<16xi32>
    %shift_right_logical3A_237 = arith.constant 7 : i32
    %shift_right_logical3A_238 = vector.broadcast %shift_right_logical3A_237 : i32 to vector<16xi32>
    %shift_right_logical3A_239 = arith.shrui %get3A_232, %shift_right_logical3A_238 : vector<16xi32>
    %and3A_240 = arith.constant 127 : i32
    %and3A_241 = vector.broadcast %and3A_240 : i32 to vector<16xi32>
    %and3A_242 = arith.andi %get3A_232, %and3A_241 : vector<16xi32>
    %convert_element_type3A_243 = arith.sitofp %unique3A_236 : vector<16xi32> to vector<16xf32>
    tpu.vector_store_idx %arg12[%shift_right_logical3A_239, %and3A_242], %convert_element_type3A_243 masked %unique3A_235 {add = true} : memref<80x128xf32, #tpu.memory_space<vmem>>[vector<16xi32>, vector<16xi32>], vector<16xf32>, vector<16xi1>
    %barrier3A_244 = arith.constant 0 : index
    tpu.barrier barrier_id(%barrier3A_244)
    %mul3A_245 = arith.constant 624 : i32
    %mul3A_246 = arith.muli %arg1, %mul3A_245 : i32
    %mul3A_247 = arith.constant 624 : i32
    %mul3A_248 = arith.muli %arg1, %mul3A_247 : i32
    "tpu.region"() ({
      %run_scoped3A_249 = tpu.sem_alloc : memref<!tpu.dma_semaphore, #tpu.memory_space<semaphore_mem>>
      %dma_start3A_250 = arith.constant 0 : i32
      %dma_start3A_251 = tpu.memref_slice %arg5[%arg0, %mul3A_248, %dma_start3A_250] : memref<2x10000x128xf32, #tpu.memory_space<hbm>> -> memref<1x640x128xf32, #tpu.memory_space<hbm>>
      %dma_start3A_252 = tpu.memref_squeeze %dma_start3A_251 : memref<1x640x128xf32, #tpu.memory_space<hbm>> -> memref<640x128xf32, #tpu.memory_space<hbm>>
      %dma_start3A_253 = arith.constant 0 : i32
      %dma_start3A_254 = tpu.memref_slice %arg7[%mul3A_246, %dma_start3A_253] : memref<10016x128xf32, #tpu.memory_space<vmem_shared>> -> memref<640x128xf32, #tpu.memory_space<vmem_shared>>
      tpu.enqueue_dma source(%dma_start3A_254 : memref<640x128xf32, #tpu.memory_space<vmem_shared>>) target(%dma_start3A_252 : memref<640x128xf32, #tpu.memory_space<hbm>>) target_semaphore(%run_scoped3A_249 : memref<!tpu.dma_semaphore, #tpu.memory_space<semaphore_mem>>)
      %dma_wait3A_255 = arith.constant 0 : i32
      %dma_wait3A_256 = tpu.memref_slice %arg5[%arg0, %mul3A_248, %dma_wait3A_255] : memref<2x10000x128xf32, #tpu.memory_space<hbm>> -> memref<1x640x128xf32, #tpu.memory_space<hbm>>
      %dma_wait3A_257 = tpu.memref_squeeze %dma_wait3A_256 : memref<1x640x128xf32, #tpu.memory_space<hbm>> -> memref<640x128xf32, #tpu.memory_space<hbm>>
      %dma_wait3A_258 = arith.constant 0 : i32
      %dma_wait3A_259 = tpu.memref_slice %arg7[%mul3A_246, %dma_wait3A_258] : memref<10016x128xf32, #tpu.memory_space<vmem_shared>> -> memref<640x128xf32, #tpu.memory_space<vmem_shared>>
      tpu.wait_dma2 semaphore(%run_scoped3A_249 : memref<!tpu.dma_semaphore, #tpu.memory_space<semaphore_mem>>) src(%dma_wait3A_259 : memref<640x128xf32, #tpu.memory_space<vmem_shared>>) dst(%dma_wait3A_257 : memref<640x128xf32, #tpu.memory_space<hbm>>)
      tpu.yield
    }) : () -> ()
    "tpu.region"() ({
      %run_scoped3A_249 = tpu.sem_alloc : memref<!tpu.dma_semaphore, #tpu.memory_space<semaphore_mem>>
      %dma_start3A_250 = arith.constant 0 : i32
      %dma_start3A_251 = arith.constant 0 : i32
      %dma_start3A_252 = tpu.memref_slice %arg6[%add3A, %dma_start3A_250, %dma_start3A_251] : memref<32x80x128xf32, #tpu.memory_space<hbm>> -> memref<1x80x128xf32, #tpu.memory_space<hbm>>
      %dma_start3A_253 = tpu.memref_squeeze %dma_start3A_252 : memref<1x80x128xf32, #tpu.memory_space<hbm>> -> memref<80x128xf32, #tpu.memory_space<hbm>>
      %dma_start3A_254 = arith.constant 0 : i32
      %dma_start3A_255 = arith.constant 0 : i32
      %dma_start3A_256 = tpu.memref_slice %arg6[%add3A, %dma_start3A_254, %dma_start3A_255] : memref<32x80x128xf32, #tpu.memory_space<hbm>> -> memref<1x80x128xf32, #tpu.memory_space<hbm>>
      %dma_start3A_257 = tpu.memref_squeeze %dma_start3A_256 : memref<1x80x128xf32, #tpu.memory_space<hbm>> -> memref<80x128xf32, #tpu.memory_space<hbm>>
      tpu.enqueue_dma source(%arg12 : memref<80x128xf32, #tpu.memory_space<vmem>>) target(%dma_start3A_257 : memref<80x128xf32, #tpu.memory_space<hbm>>) target_semaphore(%run_scoped3A_249 : memref<!tpu.dma_semaphore, #tpu.memory_space<semaphore_mem>>)
      %dma_wait3A_258 = arith.constant 0 : i32
      %dma_wait3A_259 = arith.constant 0 : i32
      %dma_wait3A_260 = tpu.memref_slice %arg6[%add3A, %dma_wait3A_258, %dma_wait3A_259] : memref<32x80x128xf32, #tpu.memory_space<hbm>> -> memref<1x80x128xf32, #tpu.memory_space<hbm>>
      %dma_wait3A_261 = tpu.memref_squeeze %dma_wait3A_260 : memref<1x80x128xf32, #tpu.memory_space<hbm>> -> memref<80x128xf32, #tpu.memory_space<hbm>>
      %dma_wait3A_262 = arith.constant 0 : i32
      %dma_wait3A_263 = arith.constant 0 : i32
      %dma_wait3A_264 = tpu.memref_slice %arg6[%add3A, %dma_wait3A_262, %dma_wait3A_263] : memref<32x80x128xf32, #tpu.memory_space<hbm>> -> memref<1x80x128xf32, #tpu.memory_space<hbm>>
      %dma_wait3A_265 = tpu.memref_squeeze %dma_wait3A_264 : memref<1x80x128xf32, #tpu.memory_space<hbm>> -> memref<80x128xf32, #tpu.memory_space<hbm>>
      tpu.wait_dma2 semaphore(%run_scoped3A_249 : memref<!tpu.dma_semaphore, #tpu.memory_space<semaphore_mem>>) src(%arg12 : memref<80x128xf32, #tpu.memory_space<vmem>>) dst(%dma_wait3A_265 : memref<80x128xf32, #tpu.memory_space<hbm>>)
      tpu.yield
    }) : () -> ()
    return
  }
}

module attributes {stable_mosaic.version = 14 : i64} {
  func.func @_tc_body(%arg0: memref<10000x128xf32, #tpu.memory_space<vmem>>, %arg1: memref<2x10000x128xf32, #tpu.memory_space<vmem>>, %arg2: memref<10000x32xf32, #tpu.memory_space<vmem>>, %arg3: memref<10000x1xf32, #tpu.memory_space<vmem>>, %arg4: memref<128x128xf32, #tpu.memory_space<vmem>>, %arg5: memref<1x128xf32, #tpu.memory_space<vmem>>, %arg6: memref<1x128xf32, #tpu.memory_space<vmem>>, %arg7: memref<1x128xf32, #tpu.memory_space<vmem>>, %arg8: memref<10000x128xf32, #tpu.memory_space<vmem>>) attributes {dimension_semantics = [], scalar_prefetch = 0 : i64, scratch_operands = 0 : i64, tpu.core_type = #tpu.core_type<tc>} {
    %get3A = arith.constant 0 : index
    %get3A_0 = arith.constant 0 : index
    %get3A_1 = vector.load %arg0[%get3A, %get3A_0] : memref<10000x128xf32, #tpu.memory_space<vmem>>, vector<10000x128xf32>
    %get3A_2 = arith.constant 0 : index
    %get3A_3 = arith.constant 0 : index
    %get3A_4 = arith.constant 0 : index
    %get3A_5 = vector.load %arg1[%get3A_2, %get3A_3, %get3A_4] : memref<2x10000x128xf32, #tpu.memory_space<vmem>>, vector<1x10000x128xf32>
    %get3A_6 = vector.shape_cast %get3A_5 : vector<1x10000x128xf32> to vector<10000x128xf32>
    %get3A_7 = arith.constant 1 : index
    %get3A_8 = arith.constant 0 : index
    %get3A_9 = arith.constant 0 : index
    %get3A_10 = vector.load %arg1[%get3A_7, %get3A_8, %get3A_9] : memref<2x10000x128xf32, #tpu.memory_space<vmem>>, vector<1x10000x128xf32>
    %get3A_11 = vector.shape_cast %get3A_10 : vector<1x10000x128xf32> to vector<10000x128xf32>
    %add3A = arith.addf %get3A_6, %get3A_11 : vector<10000x128xf32>
    %get3A_12 = arith.constant 0 : index
    %get3A_13 = arith.constant 0 : index
    %get3A_14 = vector.load %arg2[%get3A_12, %get3A_13] : memref<10000x32xf32, #tpu.memory_space<vmem>>, vector<10000x32xf32>
    %reduce_sum3A = arith.constant dense<0.000000e+00> : vector<10000xf32>
    %reduce_sum3A_15 = vector.multi_reduction <add>, %get3A_14, %reduce_sum3A [1] : vector<10000x32xf32> to vector<10000xf32>
    %broadcast_in_dim3A = vector.shape_cast %reduce_sum3A_15 : vector<10000xf32> to vector<10000x1xf32>
    %gt3A = arith.constant 0.000000e+00 : f32
    %gt3A_16 = vector.broadcast %gt3A : f32 to vector<10000x1xf32>
    %gt3A_17 = arith.cmpf ogt, %broadcast_in_dim3A, %gt3A_16 : vector<10000x1xf32>
    %max3A = arith.constant 1.000000e+00 : f32
    %max3A_18 = vector.broadcast %max3A : f32 to vector<10000x1xf32>
    %max3A_19 = arith.maximumf %broadcast_in_dim3A, %max3A_18 : vector<10000x1xf32>
    %div3A = vector.broadcast %max3A_19 : vector<10000x1xf32> to vector<10000x128xf32>
    %div3A_20 = arith.divf %add3A, %div3A : vector<10000x128xf32>
    %broadcast_in_dim3A_21 = vector.shape_cast %gt3A_17 : vector<10000x1xi1> to vector<10000x1xi1>
    %broadcast_in_dim3A_22 = vector.broadcast %broadcast_in_dim3A_21 : vector<10000x1xi1> to vector<10000x128xi1>
    %select_n3A = arith.select %broadcast_in_dim3A_22, %div3A_20, %get3A_1 : vector<10000x128xi1>, vector<10000x128xf32>
    %get3A_23 = arith.constant 0 : index
    %get3A_24 = arith.constant 0 : index
    %get3A_25 = vector.load %arg4[%get3A_23, %get3A_24] : memref<128x128xf32, #tpu.memory_space<vmem>>, vector<128x128xf32>
    %dot_general3A = arith.constant dense<0.000000e+00> : vector<10000x128xf32>
    %dot_general3A_26 = tpu.matmul %select_n3A, %get3A_25, %dot_general3A {dimension_numbers = #tpu.dot_dimension_numbers<[1], [1], [0], [0], [0, 0, 1, 0], [], []>, transpose_lhs_hint = false} : vector<10000x128xf32>, vector<128x128xf32>, vector<10000x128xf32> -> vector<10000x128xf32>
    %get3A_27 = arith.constant 0 : index
    %get3A_28 = arith.constant 0 : index
    %get3A_29 = vector.load %arg5[%get3A_27, %get3A_28] : memref<1x128xf32, #tpu.memory_space<vmem>>, vector<1x128xf32>
    %add3A_30 = vector.broadcast %get3A_29 : vector<1x128xf32> to vector<10000x128xf32>
    %add3A_31 = arith.addf %dot_general3A_26, %add3A_30 : vector<10000x128xf32>
    %get3A_32 = arith.constant 0 : index
    %get3A_33 = arith.constant 0 : index
    %get3A_34 = vector.load %arg3[%get3A_32, %get3A_33] : memref<10000x1xf32, #tpu.memory_space<vmem>>, vector<10000x1xf32>
    %mul3A = vector.broadcast %get3A_34 : vector<10000x1xf32> to vector<10000x128xf32>
    %mul3A_35 = arith.mulf %add3A_31, %mul3A : vector<10000x128xf32>
    %reduce_sum3A_36 = arith.constant dense<0.000000e+00> : vector<128xf32>
    %reduce_sum3A_37 = vector.multi_reduction <add>, %mul3A_35, %reduce_sum3A_36 [0] : vector<10000x128xf32> to vector<128xf32>
    %broadcast_in_dim3A_38 = vector.shape_cast %reduce_sum3A_37 : vector<128xf32> to vector<1x128xf32>
    %div3A_39 = arith.constant 1.000000e+04 : f32
    %div3A_40 = vector.broadcast %div3A_39 : f32 to vector<1x128xf32>
    %div3A_41 = arith.divf %broadcast_in_dim3A_38, %div3A_40 : vector<1x128xf32>
    %sub3A = vector.broadcast %div3A_41 : vector<1x128xf32> to vector<10000x128xf32>
    %sub3A_42 = arith.subf %mul3A_35, %sub3A : vector<10000x128xf32>
    %integer_pow3A = arith.mulf %sub3A_42, %sub3A_42 : vector<10000x128xf32>
    %reduce_sum3A_43 = arith.constant dense<0.000000e+00> : vector<128xf32>
    %reduce_sum3A_44 = vector.multi_reduction <add>, %integer_pow3A, %reduce_sum3A_43 [0] : vector<10000x128xf32> to vector<128xf32>
    %broadcast_in_dim3A_45 = vector.shape_cast %reduce_sum3A_44 : vector<128xf32> to vector<1x128xf32>
    %div3A_46 = arith.constant 1.000000e+04 : f32
    %div3A_47 = vector.broadcast %div3A_46 : f32 to vector<1x128xf32>
    %div3A_48 = arith.divf %broadcast_in_dim3A_45, %div3A_47 : vector<1x128xf32>
    %sub3A_49 = vector.broadcast %div3A_41 : vector<1x128xf32> to vector<10000x128xf32>
    %sub3A_50 = arith.subf %mul3A_35, %sub3A_49 : vector<10000x128xf32>
    %add3A_51 = arith.constant 9.99999974E-6 : f32
    %add3A_52 = vector.broadcast %add3A_51 : f32 to vector<1x128xf32>
    %add3A_53 = arith.addf %div3A_48, %add3A_52 : vector<1x128xf32>
    %rsqrt3A = math.rsqrt %add3A_53 : vector<1x128xf32>
    %mul3A_54 = vector.broadcast %rsqrt3A : vector<1x128xf32> to vector<10000x128xf32>
    %mul3A_55 = arith.mulf %sub3A_50, %mul3A_54 : vector<10000x128xf32>
    %get3A_56 = arith.constant 0 : index
    %get3A_57 = arith.constant 0 : index
    %get3A_58 = vector.load %arg6[%get3A_56, %get3A_57] : memref<1x128xf32, #tpu.memory_space<vmem>>, vector<1x128xf32>
    %mul3A_59 = vector.broadcast %get3A_58 : vector<1x128xf32> to vector<10000x128xf32>
    %mul3A_60 = arith.mulf %mul3A_55, %mul3A_59 : vector<10000x128xf32>
    %get3A_61 = arith.constant 0 : index
    %get3A_62 = arith.constant 0 : index
    %get3A_63 = vector.load %arg7[%get3A_61, %get3A_62] : memref<1x128xf32, #tpu.memory_space<vmem>>, vector<1x128xf32>
    %add3A_64 = vector.broadcast %get3A_63 : vector<1x128xf32> to vector<10000x128xf32>
    %add3A_65 = arith.addf %mul3A_60, %add3A_64 : vector<10000x128xf32>
    %max3A_66 = arith.constant 0.000000e+00 : f32
    %max3A_67 = vector.broadcast %max3A_66 : f32 to vector<10000x128xf32>
    %max3A_68 = arith.maximumf %add3A_65, %max3A_67 : vector<10000x128xf32>
    %add3A_69 = arith.addf %get3A_1, %max3A_68 : vector<10000x128xf32>
    %swap3A = arith.constant 0 : index
    %swap3A_70 = arith.constant 0 : index
    %swap3A_71 = vector.load %arg8[%swap3A, %swap3A_70] : memref<10000x128xf32, #tpu.memory_space<vmem>>, vector<10000x128xf32>
    tpu.vector_store %arg8[%swap3A, %swap3A_70], %add3A_69 {strides = array<i32>} : memref<10000x128xf32, #tpu.memory_space<vmem>>, vector<10000x128xf32>,
    return
  }
}

</mosaic_0001>

<sc_bundles>
// kernel: kernel.4.cloned.1.call-start
scs
__scs_entry_jumppad:
0x0: {  	(pc) =	sbr.rel $0x88, $3  }
0x1: {  	(tag) =	ssettag $0x0;
	lr =	simm.s32 $0x1  }
0x2: {  	[smem:$0x3F9A] =	sst lr;
	_ =	strace $0xD0000000  }
0x3: {  	_ = 	snop  }
0x4: {  	_ = 	snop  }
0x5: {  	_ = 	snop  }
0x6: {  	_ = 	snop  }
0x7: {  	_ = 	snop  }
__scs_overlays_trampoline_lowered:
0x8: {  	[smem:$0x3FA9] =	sst s0  }
0x9: {  	[smem:$0x3FAA] =	sst s1  }
0xa: {  	[smem:$0x3FAB] =	sst s2  }
0xb: {  	[smem:$0x3FAC] =	sst s3  }
0xc: {  	[smem:$0x3FAD] =	sst s4  }
0xd: {  	[smem:$0x3FAE] =	sst s5  }
0xe: {  	[smem:$0x3FAF] =	sst s6  }
0xf: {  	[smem:$0x3FB0] =	sst s7  }
0x10: {  	[smem:$0x3FB1] =	sst s8  }
0x11: {  	[smem:$0x3FB2] =	sst s9;
	s0 =	simm.s32 @!p0 $0x0  }
0x12: {  	s1 =	sld [smem:$0x3F98];
	s0 =	simm.s32 @p0 $0x1  }
0x13: {  	[smem:$0x3FB3] =	sst s0;
	s0 =	simm.s32 @!p1 $0x0  }
0x14: {  	s2 =	sld [smem:$0x3F97];
	s0 =	simm.s32 @p1 $0x1  }
0x15: {  	[smem:$0x3FB4] =	sst s0;
	s0 =	simm.s32 @!p2 $0x0  }
0x16: {  	s3 =	sld [smem:$0x3FDB];
	s0 =	simm.s32 @p2 $0x1  }
0x17: {  	s4 =	simm.s32 $0x1BF5;
	[smem:$0x3FB6] =	sst s0  }
0x18: {  	s0 =	sld [smem:$0x3F99];
	_ =	swait.ge [sflag:s4], $0x0  }
0x19: {  	s7 =	sld [smem:$0x3F9A]  }
0x1a: {  	s8 =	sadd.s32 $0xFFFFE003, lr  }
0x1b: {  	s9 =	sadd.s32 $0xFFFFFEF7, lr;
	s5 =	simm.s32 $0xFFFFFFFF;
	p2 =	slt.u32 s8, $0xFFFFF086  }
0x1c: {  	p1 =	slt.u32 s9, $0xF7A;
	s5 =	simm.s32 @!p2 $0x0  }
0x1d: {  	s5 =	simm.s32 @p1 $0x1;
	p0 =	seq.s32 s7, s2  }
0x1e: {  	s7 =	smul.u32 @!p0 $0xF7A, s2;
	p2 =	seq.s32 @!p0 s5, $0x0  }
0x1f: {  	s9 =	smul.u32 $0xF7A, s1;
	s8 =	simm.s32 @!p0 $0x1BF5;
	p2 =	por !p2, p0  }
0x20: {  	[sflag:s8] =	ssyncset.s32 @!p0 $0xFFFFF086;
	s6 =	sadd.s32 @!p0 s3, s7;
	s7 =	simm.s32 @!p0 $0x108  }
0x21: {  	s3 =	sadd.s32 s3, s9;
	s6 =	sadd.s32 @!p0 $0x88, s6;
	s7 =	simm.s32 @p2 $0x1082  }
0x22: {  	[simem:s7], [sflag:s8] =	dma.local @!p0 [hbm:s6], $0xF7A  }
0x23: {  	s9 =	sor.u32 $0xD0000000, s2;
	s6 =	simm.s32 $0x108;
	_ =	swait.ge @!p0 [sflag:s8], $0x0  }
0x24: {  	s3 =	sadd.s32 $0x88, s3;
	s6 =	simm.s32 @!p1 $0x1082;
	[sflag:s4] =	ssyncset.s32 $0xFFFFF086  }
0x25: {  	[simem:s6], [sflag:s4] =	dma.local [hbm:s3], $0xF7A  }
0x26: {  	[smem:$0x3F9A] =	sst s1;
	(tag) =	ssettag s2;
	_ =	strace s9  }
0x27: {  	s1 =	sld [smem:$0x3FAA]  }
0x28: {  	s2 =	sld [smem:$0x3FAB]  }
0x29: {  	s4 =	sld [smem:$0x3FAD]  }
0x2a: {  	p0 =	seq.s32 s5, $0x0;
	s5 =	sld [smem:$0x3FAE]  }
0x2b: {  	s6 =	sld [smem:$0x3FAF]  }
0x2c: {  	s7 =	sld [smem:$0x3FB0]  }
0x2d: {  	s3 =	simm.s32 $0x108;
	s8 =	sld [smem:$0x3FB1]  }
0x2e: {  	s3 =	simm.s32 @!p0 $0x1082;
	s9 =	sld [smem:$0x3FB2]  }
0x2f: {  	lr =	sadd.s32 s0, s3;
	s0 =	sld [smem:$0x3FA9]  }
0x30: {  	s3 =	sld [smem:$0x3FAC]  }
0x31: {  	[smem:$0x3FB5] =	sst s10  }
0x32: {  	s10 =	sld [smem:$0x3FB3];
	_ =	sdelay $0x3  }
0x33: {  	p0 =	seq.s32 s10, $0x1;
	s10 =	sld [smem:$0x3FB5];
	_ =	sdelay $0x3  }
0x34: {  	[smem:$0x3FB5] =	sst s10  }
0x35: {  	s10 =	sld [smem:$0x3FB4];
	_ =	sdelay $0x3  }
0x36: {  	p1 =	seq.s32 s10, $0x1;
	s10 =	sld [smem:$0x3FB5];
	_ =	sdelay $0x3  }
0x37: {  	[smem:$0x3FB5] =	sst s10  }
0x38: {  	s10 =	sld [smem:$0x3FB6]  }
0x39: {  	_ = 	snop;
	(pc) =	sbr.ind lr, $3  }
0x3a: {  	_ = 	snop  }
0x3b: {  	_ = 	snop  }
0x3c: {  	p2 =	seq.s32 s10, $0x1;
	s10 =	sld [smem:$0x3FB5]  }
0x3d: {  	_ =	shalt  }
0x3e: {  	_ =	shalt  }
0x3f: {  	_ =	shalt  }
0x40: {  	_ =	shalt  }
0x41: {  	_ =	shalt  }
0x42: {  	_ =	shalt  }
0x43: {  	_ =	shalt  }
0x44: {  	_ =	shalt  }
0x45: {  	_ =	shalt  }
0x46: {  	_ =	shalt  }
0x47: {  	_ =	shalt  }
0x48: {  	_ =	shalt  }
0x49: {  	_ =	shalt  }
0x4a: {  	_ =	shalt  }
0x4b: {  	_ =	shalt  }
0x4c: {  	_ =	shalt  }
0x4d: {  	_ =	shalt  }
0x4e: {  	_ =	shalt  }
0x4f: {  	_ =	shalt  }
0x50: {  	_ =	shalt  }
0x51: {  	_ =	shalt  }
0x52: {  	_ =	shalt  }
0x53: {  	_ =	shalt  }
0x54: {  	_ =	shalt  }
0x55: {  	_ =	shalt  }
0x56: {  	_ =	shalt  }
0x57: {  	_ =	shalt  }
0x58: {  	_ =	shalt  }
0x59: {  	_ =	shalt  }
0x5a: {  	_ =	shalt  }
0x5b: {  	_ =	shalt  }
0x5c: {  	_ =	shalt  }
0x5d: {  	_ =	shalt  }
0x5e: {  	_ =	shalt  }
0x5f: {  	_ =	shalt  }
0x60: {  	_ =	shalt  }
0x61: {  	_ =	shalt  }
0x62: {  	_ =	shalt  }
0x63: {  	_ =	shalt  }
0x64: {  	_ =	shalt  }
0x65: {  	_ =	shalt  }
0x66: {  	_ =	shalt  }
0x67: {  	_ =	shalt  }
0x68: {  	_ =	shalt  }
0x69: {  	_ =	shalt  }
0x6a: {  	_ =	shalt  }
0x6b: {  	_ =	shalt  }
0x6c: {  	_ =	shalt  }
0x6d: {  	_ =	shalt  }
0x6e: {  	_ =	shalt  }
0x6f: {  	_ =	shalt  }
0x70: {  	_ =	shalt  }
0x71: {  	_ =	shalt  }
0x72: {  	_ =	shalt  }
0x73: {  	_ =	shalt  }
0x74: {  	_ =	shalt  }
0x75: {  	_ =	shalt  }
0x76: {  	_ =	shalt  }
0x77: {  	_ =	shalt  }
0x78: {  	_ =	shalt  }
0x79: {  	_ =	shalt  }
0x7a: {  	_ =	shalt  }
0x7b: {  	_ =	shalt  }
0x7c: {  	_ =	shalt  }
0x7d: {  	_ =	shalt  }
0x7e: {  	_ =	shalt  }
0x7f: {  	_ =	shalt  }
0x80: {  	_ =	shalt  }
0x81: {  	_ =	shalt  }
0x82: {  	_ =	shalt  }
0x83: {  	_ =	shalt  }
0x84: {  	_ =	shalt  }
0x85: {  	_ =	shalt  }
0x86: {  	_ =	shalt  }
0x87: {  	_ =	shalt  }
.Lfunc_end0:
.L_simem_size_0:
called_computation_lowered:
.L_overlay_start_0:
0x88: {  	s2 =	sld [smem:$0x3FD9]  }
0x89: {  	s3 =	sld [smem:$0x3FFE];
	_ =	sdelay $0x1  }
0x8a: {  	s1 =	srdreg.scid  }
0x8b: {  	s0 =	sand.u32 $0x1, s1  }
0x8c: {  	s17 =	sshll.u32 s0, $0xA;
	s2 =	sadd.s32 s3, s2  }
0x8d: {  	s2 =	sadd.s32 s2, s17  }
0x8e: {  	[smem:$0x3FC1] =	sst s2  }
0x8f: {  	_ = 	snop  }
0x90: {  	s2 =	sld [smem:$0x3FC9]  }
0x91: {  	s18 =	sld [smem:$0x3FD0];
	(tm) =	ssettm $0x1  }
0x92: {  	s4 =	sld [smem:$0x3FFB];
	_ =	sdelay $0x3  }
0x93: {  	_ =	strace s4  }
0x94: {  	s4 =	sld [smem:$0x3FFC];
	_ =	sdelay $0x3  }
0x95: {  	_ =	strace s4  }
0x96: {  	s4 =	sld [smem:$0x3FFD];
	_ =	sdelay $0x3  }
0x97: {  	_ =	strace s4  }
0x98: {  	_ =	strace $0x8FFFFFFF  }
0x99: {  	s19 =	sld [smem:$0x3FDB];
	_ =	sdelay $0x1  }
0x9a: {  	s5 =	simm.s32 $_scs_section_size  }
0x9b: {  	s6 =	simm.s32 $_size__tile_overlayer_lowered;
	s7 =	simm.s32 $_tile_overlayer_lowered  }
0x9c: {  	s22 =	simm.s32 $0x1BFF;
	s21 =	sshll.u32 s7, $0x1;
	s4 =	sadd.s32 s5, s19  }
0x9d: {  	s8 =	simm.s32 $0x0;
	s20 =	sshll.u32 s6, $0x1;
	s6 =	sadd.s32 s21, s4  }
0x9e: {  	[timem:s8], [sflag:s22] =	dma.local [hbm:s6], s20  }
0x9f: {  	_ =	swait.ge [sflag:s22], s20  }
0xa0: {  	s5 =	ssub.s32 $0x0, s20;
	[sflag:s22] =	ssyncset.done $0x0  }
0xa1: {  	[sflag:s22] =	ssyncadd.s32 s5;
	_ =	sdelay $0x1  }
0xa2: {  	s23 =	simm.s32 $0x1B8B  }
0xa3: {  	_ =	swait.ge [sflag:s23], $0x1  }
0xa4: {  	[sflag:s23] =	ssyncset.done $0x0  }
0xa5: {  	s25 =	simm.s32 $0x1B8E;
	s24 =	sld [smem:$0x3FFE];
	[sflag:s23] =	ssyncadd.s32 $0xFFFFFFFF  }
0xa6: {  	s26 =	simm.s32 $execute0_lowered;
	[smem:$0x3FD2] =	sst s25  }
0xa7: {  	s6 =	sshll.u32 s26, $0x1;
	_ =	strace $0x80000046;
	[dreg:$0x1] =	wrdreg $0xFFFFFFFF  }
0xa8: {  	s28 =	simm.s32 $_size_execute0_lowered;
	s4 =	sadd.s32 s4, s6;
	[dreg:$0x0] =	wrdreg $0x0  }
0xa9: {  	s6 =	sshll.u32 s28, $0x1;
	[dreg:$0x2] =	wrdreg s4  }
0xaa: {  	[dreg:$0x3] =	wrdreg s6  }
0xab: {  	[dreg:$0x4] =	wrdreg $0xC0  }
0xac: {  	_ =	task [dreg:s8], $0x5FFFF  }
0xad: {  	[dreg:$0x1] =	wrdreg $0xFFFFFFFF  }
0xae: {  	[dreg:$0x0] =	wrdreg $0x60  }
0xaf: {  	[dreg:$0x2] =	wrdreg s2  }
0xb0: {  	[dreg:$0x3] =	wrdreg s24  }
0xb1: {  	[dreg:$0x4] =	wrdreg s18  }
0xb2: {  	[dreg:$0x5] =	wrdreg $0x0  }
0xb3: {  	[dreg:$0x6] =	wrdreg $0x9  }
0xb4: {  	_ =	task.clear_ibuf [dreg:s8], $0x7FFFF;
	_ =	strace $0x90000046  }
0xb5: {  	s29 =	simm.s32 $0x9;
	_ =	strace $0x80000048  }
0xb6: {  	_ =	swait.ge [sflag:s29], $0x1  }
0xb7: {  	[sflag:s29] =	ssyncadd.s32 $0xFFFFFFFF  }
0xb8: {  	_ =	strace $0x90000048  }
0xb9: {  	_ =	sfence  }
0xba: {  	s30 =	sld [smem:$0x0];
	_ =	sdelay $0x2  }
0xbb: {  	s31 =	sshll.u32 s1, $0xD;
	s1 =	sshrl.u32 s1, $0x2  }
0xbc: {  	s3 =	sand.u32 $0x4000, s31;
	s1 =	sadd.s32 s1, s30  }
0xbd: {  	s0 =	sor.u32 s3, s0;
	s1 =	sshll.u32 s1, $0x11  }
0xbe: {  	s0 =	sor.u32 s1, s0  }
0xbf: {  	s0 =	sadd.s32 $0x8F2B, s0  }
0xc0: {  	[sflag:s0] =	ssyncadd.remote.s32 $0x1  }
0xc1: {  	_ =	sfence.sel $0xFFFF  }
0xc2: {  	[dreg:$0x0] =	wrdreg $0xFFFFFFFF;
	(pc) =	sbr.abs _section_cstart, $3  }
0xc3: {  	[dreg:$0x1] =	wrdreg $0xFFFFFFFF  }
0xc4: {  	_ =	task.clear_ibuf [dreg:s8], $0x2FFFF;
	_ =	strace $0x9FFFFFFF  }
0xc5: {  	(tm) =	ssettm $0x7FFFFFFF  }
tec
execute0_lowered:
.L_overlay_start_1:
0x0: {  	(tag) =	ssettag $0x1  }
0x1: {  	s0 =	rddreg [dreg:$0x0]  }
0x2: {  	s1 =	rddreg [dreg:$0x1]  }
0x3: {  	s3 =	rddreg [dreg:$0x2]  }
0x4: {  	s4 =	srdreg.scid;
	s2 =	rddreg [dreg:$0x3]  }
0x5: {  	s22 =	stileid.u32;
	s28 =	simm.s32 $0x80;
	s29 =	simm.s32 $0x13980  }
0x6: {  	s30 =	simm.s32 $0x13A80;
	s31 =	simm.s32 $0x1;
	s7 =	smul.u32 $0x13800, s22  }
0x7: {  	s6 =	sand.u32 $0x1, s4;
	s4 =	simm.s32 $0x0;
	s9 =	smul.u32 $0x4E000, s22  }
0x8: {  	s8 =	sadd.s32 $0x200, s1;
	s23 =	sadd.s32 $0x138800, s2;
	s14 =	smul.u32 $0x4F, s22  }
0x9: {  	p0 =	sne.s32 s22, $0x0;
	s5 =	smul.u32 $0x138800, s6;
	[smem:$0x7FF] =	sst s4  }
0xa: {  	s15 =	ssub.s32 $0x2, s6;
	s10 =	sshll.u32 s6, $0x4;
	s6 =	smul.u32 $0x4F0, s6  }
0xb: {  	_ =	strace $0x80000047;
	s11 =	sshrl.u32 s15, $0x1;
	s10 =	sor.u32 s22, s10  }
0xc: {  	s9 =	sshrl.u32 s9, $0x2;
	[dreg:$0x9] =	wrdreg s23;
	s22 =	simm.s32 $0x13B00  }
0xd: {  	s23 =	simm.s32 $0x5;
	s5 =	sadd.s32 s7, s5;
	s16 =	smul.u32 $0x4F0, s10  }
0xe: {  	s7 =	sadd.s32 $0xA000, s1;
	s17 =	ssub.s32 s15, s11;
	s20 =	smul.u32 $0x2780, s10  }
0xf: {  	s10 =	smul.u32 $0x500, s10;
	s6 =	sadd.s32 s14, s6;
	s5 =	sshrl.u32 s5, $0x3  }
0x10: {  	s25 =	sshll.u32 s6, $0x4;
	s17 =	smax.u32 s17, $0x1;
	s1 =	sadd.s32 s5, s1  }
0x11: {  	s5 =	sadd.s32 s9, s2;
	s13 =	sshrl.u32 s20, $0x3;
	s11 =	sadd.s32 s8, s16  }
0x12: {  	s26 =	sadd.s32 $0x30, s25;
	s6 =	sadd.s32 s25, s8;
	s18 =	sadd.s32 $0x4000, s5  }
0x13: {  	s19 =	sadd.s32 $0x8000, s5;
	s12 =	sadd.s32 $0xC000, s5;
	s21 =	sadd.s32 $0x10000, s5  }
0x14: {  	s24 =	sadd.s32 $0x10, s13;
	s15 =	sadd.s32 $0x13E00, s1;
	[dreg:$0x5] =	wrdreg s18  }
0x15: {  	s1 =	sadd.s32 s25, s7;
	s20 =	sadd.s32 $0x20, s6;
	[dreg:$0x6] =	wrdreg s19  }
0x16: {  	s25 =	simm.s32 $0x13A00;
	s6 =	simm.s32 $0x1BB00;
	[dreg:$0x7] =	wrdreg s12  }
.Ltmp0:
0x17: {  	[dreg:$0x8] =	wrdreg s21;
	s12 =	sadd.s32 s7, s16;
	(pc) =	sbr.rel .LBB2_1-.Ltmp0, $4  }
0x18: {  	s13 =	sadd.s32 s8, s24;
	s14 =	sadd.s32 s7, s24;
	s16 =	sadd.s32 s3, s10  }
0x19: {  	s18 =	sadd.s32 s26, s8;
	s19 =	sadd.s32 s26, s7;
	s21 =	sadd.s32 $0x20, s1  }
0x1a: {  	s24 =	simm.s32 $0x13900;
	s26 =	simm.s32 $0x3;
	s1 =	simm.s32 $0x4  }
0x1b: {  	v0 =	vimm.f32 $0.0e+00;
	s3 =	simm.s32 $0x17B00;
	s7 =	simm.s32 $0x2;
	s8 =	simm.s32 $0x0  }
.LBB2_8:
0x1c: {  	_ =	swait.ge [sflag:s31], $0x4000  }
0x1d: {  	[sflag:s31] =	ssyncset.done $0x0  }
0x1e: {  	[sflag:s31] =	ssyncadd.s32 $0xFFFFC000  }
0x1f: {  	[spmem:s2] =	stream.indirect.scatter.add.f32 [tilespmem:s22], [sflag:$0x5], $0x80, s25, s28, $0xb8;
	[tilespmem:$0x1E300] =	vst v63  }
0x20: {  	_ =	swait.ge [sflag:s23], $0x4000  }
0x21: {  	[sflag:s23] =	ssyncset.done $0x0  }
0x22: {  	[sflag:s23] =	ssyncadd.s32 $0xFFFFC000  }
0x23: {  	v1 =	vld [tilespmem:$0x13A00];
	_ =	sdelay $0x4  }
0x24: {  	(xrf1) =	vunique.msk.u32 $0xffff, v1;
	_ =	sdelay $0xd  }
0x25: {  	_, v2, vm0 =	vpop (xrf1);
	_ =	sdelay $0x3  }
0x26: {  	v2 =	vcvt.s32.f32 v2;
	_ =	sdelay $0x1  }
0x27: {  	[tilespmem:v1+s6+$0x0] =	vst.idx.add.f32.msk vm0, v2  }
0x28: {  	v1 =	vld [tilespmem:$0x13A10];
	_ =	sdelay $0x4  }
0x29: {  	(xrf1) =	vunique.msk.u32 $0xffff, v1;
	_ =	sdelay $0xd  }
0x2a: {  	_, v2, vm0 =	vpop (xrf1);
	_ =	sdelay $0x3  }
0x2b: {  	v2 =	vcvt.s32.f32 v2;
	_ =	sdelay $0x1  }
0x2c: {  	[tilespmem:v1+s6+$0x0] =	vst.idx.add.f32.msk vm0, v2  }
0x2d: {  	v1 =	vld [tilespmem:$0x13A20];
	_ =	sdelay $0x4  }
0x2e: {  	(xrf1) =	vunique.msk.u32 $0xffff, v1;
	_ =	sdelay $0xd  }
0x2f: {  	_, v2, vm0 =	vpop (xrf1);
	_ =	sdelay $0x3  }
0x30: {  	v2 =	vcvt.s32.f32 v2;
	_ =	sdelay $0x1  }
0x31: {  	[tilespmem:v1+s6+$0x0] =	vst.idx.add.f32.msk vm0, v2  }
0x32: {  	v1 =	vld [tilespmem:$0x13A30];
	_ =	sdelay $0x4  }
0x33: {  	(xrf1) =	vunique.msk.u32 $0xffff, v1;
	_ =	sdelay $0xd  }
0x34: {  	_, v2, vm0 =	vpop (xrf1);
	_ =	sdelay $0x3  }
0x35: {  	v2 =	vcvt.s32.f32 v2;
	_ =	sdelay $0x1  }
0x36: {  	[tilespmem:v1+s6+$0x0] =	vst.idx.add.f32.msk vm0, v2  }
0x37: {  	v1 =	vld [tilespmem:$0x13A40];
	_ =	sdelay $0x4  }
0x38: {  	(xrf1) =	vunique.msk.u32 $0xffff, v1;
	_ =	sdelay $0xd  }
0x39: {  	_, v2, vm0 =	vpop (xrf1);
	_ =	sdelay $0x3  }
0x3a: {  	v2 =	vcvt.s32.f32 v2;
	_ =	sdelay $0x1  }
0x3b: {  	[tilespmem:v1+s6+$0x0] =	vst.idx.add.f32.msk vm0, v2  }
0x3c: {  	v1 =	vld [tilespmem:$0x13A50];
	_ =	sdelay $0x4  }
0x3d: {  	(xrf1) =	vunique.msk.u32 $0xffff, v1;
	_ =	sdelay $0xd  }
0x3e: {  	_, v2, vm0 =	vpop (xrf1);
	_ =	sdelay $0x3  }
0x3f: {  	v2 =	vcvt.s32.f32 v2;
	_ =	sdelay $0x1  }
0x40: {  	[tilespmem:v1+s6+$0x0] =	vst.idx.add.f32.msk vm0, v2  }
0x41: {  	v1 =	vld [tilespmem:$0x13A60];
	_ =	sdelay $0x4  }
0x42: {  	(xrf1) =	vunique.msk.u32 $0xffff, v1;
	_ =	sdelay $0xd  }
0x43: {  	_, v2, vm0 =	vpop (xrf1);
	_ =	sdelay $0x3  }
0x44: {  	v2 =	vcvt.s32.f32 v2;
	_ =	sdelay $0x1  }
0x45: {  	[tilespmem:v1+s6+$0x0] =	vst.idx.add.f32.msk vm0, v2  }
0x46: {  	v1 =	vld [tilespmem:$0x13A70];
	_ =	sdelay $0x4  }
0x47: {  	(xrf1) =	vunique.msk.u32 $0xffff, v1;
	_ =	sdelay $0xd  }
0x48: {  	_, v2, vm0 =	vpop (xrf1);
	_ =	sdelay $0x3  }
0x49: {  	v2 =	vcvt.s32.f32 v2  }
0x4a: {  	s9 =	stileid.u32  }
0x4b: {  	s9 =	sshll.u32 s9, $0x6;
	[tilespmem:v1+s6+$0x0] =	vst.idx.add.f32.msk vm0, v2  }
0x4c: {  	s10 =	sshrl.u32 s5, $0x3;
	s9 =	sor.u32 $0x1C05, s9;
	[bflag:$0x0] =	sbarrier.arrive $0xFFFF  }
0x4d: {  	[hbm:s15], [sflag:s9] =	dma.local [spmem:s10], $0x2800  }
0x4e: {  	s8 =	sadd.s32 $0x1, s8;
	_ =	swait.ge [sflag:s23], $0x2800  }
0x4f: {  	p1 =	sne.s32 s8, s17;
	[sflag:s23] =	ssyncset.done $0x0  }
.Ltmp1:
0x50: {  	[sflag:s23] =	ssyncadd.s32 $0xFFFFD800;
	(pc) =	sbr.rel @!p1 .LBB2_9-.Ltmp1, $4  }
0x51: {  	[hbm4b:s16+s4] =	stream.linear.scatter [tilespmem:s6], [sflag:$0x5], $0x2800, $0x38;
	[tilespmem:$0x1E300] =	vst v63  }
0x52: {  	_ =	swait.ge [sflag:s23], $0x2800  }
0x53: {  	[sflag:s23] =	ssyncset.done $0x0  }
0x54: {  	[sflag:s23] =	ssyncadd.s32 $0xFFFFD800  }
.LBB2_1:
0x55: {  	s9 =	simm.s32 $0x0;
	s10 =	simm.s32 $0x200  }
.LBB2_2:
0x56: {  	p1 =	sne.s32 s10, $0xFE00;
	[tilespmem:s9+$0x13B70] =	vst v0  }
0x57: {  	[tilespmem:s9+$0x13B00] =	vst v0  }
0x58: {  	[tilespmem:s9+$0x13B10] =	vst v0  }
.Ltmp2:
0x59: {  	[tilespmem:s9+$0x13B20] =	vst v0;
	(pc) =	sbr.rel @p1 .LBB2_2-.Ltmp2, $4  }
0x5a: {  	[tilespmem:s9+$0x13B30] =	vst v0  }
0x5b: {  	[tilespmem:s9+$0x13B40] =	vst v0  }
0x5c: {  	[tilespmem:s9+$0x13B50] =	vst v0  }
0x5d: {  	[tilespmem:s9+$0x13B60] =	vst v0;
	s9 =	sshra.s32 s10, $0x2;
	s10 =	sadd.s32 $0x200, s10  }
0x5e: {  	[tilespmem:s9+$0x13B70] =	vst v0  }
0x5f: {  	[tilespmem:s9+$0x13B00] =	vst v0  }
0x60: {  	[tilespmem:s9+$0x13B10] =	vst v0  }
0x61: {  	[tilespmem:s9+$0x13B20] =	vst v0  }
0x62: {  	[tilespmem:s9+$0x13B30] =	vst v0  }
0x63: {  	[tilespmem:s9+$0x13B40] =	vst v0  }
0x64: {  	[tilespmem:s9+$0x13B50] =	vst v0  }
0x65: {  	[tilespmem:s9+$0x13B60] =	vst v0;
	s9 =	simm.s32 $0x0;
	s10 =	simm.s32 $0x200  }
.LBB2_4:
0x66: {  	p1 =	sne.s32 s10, $0x9E00;
	[tilespmem:s9+$0x1BB70] =	vst v0  }
0x67: {  	[tilespmem:s9+$0x1BB00] =	vst v0  }
0x68: {  	[tilespmem:s9+$0x1BB10] =	vst v0  }
.Ltmp3:
0x69: {  	[tilespmem:s9+$0x1BB20] =	vst v0;
	(pc) =	sbr.rel @p1 .LBB2_4-.Ltmp3, $4  }
0x6a: {  	[tilespmem:s9+$0x1BB30] =	vst v0  }
0x6b: {  	[tilespmem:s9+$0x1BB40] =	vst v0  }
0x6c: {  	[tilespmem:s9+$0x1BB50] =	vst v0  }
0x6d: {  	[tilespmem:s9+$0x1BB60] =	vst v0;
	s9 =	sshra.s32 s10, $0x2;
	s10 =	sadd.s32 $0x200, s10  }
0x6e: {  	[tilespmem:s9+$0x1BB70] =	vst v0  }
0x6f: {  	[tilespmem:s9+$0x1BB00] =	vst v0  }
0x70: {  	[tilespmem:s9+$0x1BB10] =	vst v0  }
0x71: {  	[tilespmem:s9+$0x1BB20] =	vst v0  }
0x72: {  	[tilespmem:s9+$0x1BB30] =	vst v0  }
0x73: {  	[tilespmem:s9+$0x1BB40] =	vst v0  }
0x74: {  	[tilespmem:s9+$0x1BB50] =	vst v0  }
0x75: {  	[tilespmem:s9+$0x1BB60] =	vst v0  }
0x76: {  	[spmem:s5] =	stream.linear.scatter [tilespmem:s22], [sflag:$0x5], $0x4000, $0x38;
	[tilespmem:$0x1E300] =	vst v63  }
0x77: {  	_ =	swait.ge [sflag:s23], $0x4000  }
0x78: {  	[sflag:s23] =	ssyncset.done $0x0  }
0x79: {  	s10 =	rddreg [dreg:$0x5];
	[sflag:s23] =	ssyncadd.s32 $0xFFFFC000  }
0x7a: {  	[spmem:s10] =	stream.linear.scatter [tilespmem:s22], [sflag:$0x5], $0x4000, $0x38;
	[tilespmem:$0x1E300] =	vst v63  }
0x7b: {  	_ =	swait.ge [sflag:s23], $0x4000  }
0x7c: {  	[sflag:s23] =	ssyncset.done $0x0  }
0x7d: {  	s10 =	rddreg [dreg:$0x6];
	[sflag:s23] =	ssyncadd.s32 $0xFFFFC000  }
0x7e: {  	[spmem:s10] =	stream.linear.scatter [tilespmem:s22], [sflag:$0x5], $0x4000, $0x38;
	[tilespmem:$0x1E300] =	vst v63  }
0x7f: {  	_ =	swait.ge [sflag:s23], $0x4000  }
0x80: {  	[sflag:s23] =	ssyncset.done $0x0  }
0x81: {  	s10 =	rddreg [dreg:$0x7];
	[sflag:s23] =	ssyncadd.s32 $0xFFFFC000  }
0x82: {  	[spmem:s10] =	stream.linear.scatter [tilespmem:s22], [sflag:$0x5], $0x4000, $0x38;
	[tilespmem:$0x1E300] =	vst v63  }
0x83: {  	_ =	swait.ge [sflag:s23], $0x4000  }
0x84: {  	[sflag:s23] =	ssyncset.done $0x0  }
0x85: {  	s10 =	rddreg [dreg:$0x8];
	[sflag:s23] =	ssyncadd.s32 $0xFFFFC000  }
0x86: {  	[spmem:s10] =	stream.linear.scatter [tilespmem:s22], [sflag:$0x5], $0x4000, $0x38;
	[tilespmem:$0x1E300] =	vst v63  }
0x87: {  	_ =	swait.ge [sflag:s23], $0x4000  }
0x88: {  	[sflag:s23] =	ssyncset.done $0x0  }
0x89: {  	s9 =	simm.s32 @!p0 $0x13B00;
	s10 =	rddreg [dreg:$0x9];
	[sflag:s23] =	ssyncadd.s32 $0xFFFFC000  }
0x8a: {  	[spmem:s10] =	stream.linear.scatter @!p0 [tilespmem:s9], [sflag:$0x5], $0x800, $0x38;
	[tilespmem:$0x1E300] =	vst v63  }
0x8b: {  	s9 =	simm.s32 @!p0 $0x5  }
0x8c: {  	_ =	swait.ge @!p0 [sflag:s9], $0x800  }
0x8d: {  	[sflag:s9] =	ssyncset.done @!p0 $0x0  }
0x8e: {  	[sflag:s9] =	ssyncadd.s32 @!p0 $0xFFFFF800  }
0x8f: {  	s9 =	simm.s32 $0x0;
	[bflag:$0x0] =	sbarrier.arrive $0xFFFF  }
0x90: {  	[tilespmem:s24], [sflag:$0x3] =	stream.linear.gather [hbm4b:s11+s9], $0x80, $0x38;
	[tilespmem:$0x1E300] =	vst v63  }
0x91: {  	_ = 	snop  }
0x92: {  	[tilespmem:s25], [sflag:$0x3] =	stream.linear.gather [hbm4b:s12+s9], $0x80, $0x38;
	[tilespmem:$0x1E300] =	vst v63  }
0x93: {  	_ =	swait.ge [sflag:s26], $0x80  }
0x94: {  	[sflag:s26] =	ssyncset.done $0x0  }
0x95: {  	[sflag:s26] =	ssyncadd.s32 $0xFFFFFF80  }
0x96: {  	_ =	swait.ge [sflag:s26], $0x80  }
0x97: {  	[sflag:s26] =	ssyncset.done $0x0  }
0x98: {  	[sflag:s26] =	ssyncadd.s32 $0xFFFFFF80  }
0x99: {  	[tilespmem:s22], [sflag:$0x1] =	stream.indirect.gather [hbm4b:s0+s28], $0x80, s24, s28, $0xb8;
	[tilespmem:$0x1E300] =	vst v63  }
0x9a: {  	_ = 	snop  }
0x9b: {  	[tilespmem:s29], [sflag:$0x4] =	stream.linear.gather [hbm4b:s13+s9], $0x80, $0x38;
	[tilespmem:$0x1E300] =	vst v63  }
0x9c: {  	_ = 	snop  }
0x9d: {  	[tilespmem:s30], [sflag:$0x4] =	stream.linear.gather [hbm4b:s14+s9], $0x80, $0x38;
	[tilespmem:$0x1E300] =	vst v63  }
.LBB2_6:
0x9e: {  	_ =	swait.ge [sflag:s31], $0x4000  }
0x9f: {  	[sflag:s31] =	ssyncset.done $0x0  }
0xa0: {  	[sflag:s31] =	ssyncadd.s32 $0xFFFFC000  }
0xa1: {  	_ =	swait.ge [sflag:s1], $0x80  }
0xa2: {  	[sflag:s1] =	ssyncset.done $0x0  }
0xa3: {  	[sflag:s1] =	ssyncadd.s32 $0xFFFFFF80  }
0xa4: {  	_ =	swait.ge [sflag:s1], $0x80  }
0xa5: {  	[sflag:s1] =	ssyncset.done $0x0  }
0xa6: {  	[sflag:s1] =	ssyncadd.s32 $0xFFFFFF80  }
0xa7: {  	[tilespmem:s3], [sflag:$0x2] =	stream.indirect.gather [hbm4b:s0+s28], $0x80, s29, s28, $0xb8;
	[tilespmem:$0x1E300] =	vst v63  }
0xa8: {  	_ = 	snop  }
0xa9: {  	[spmem:s2] =	stream.indirect.scatter.add.f32 [tilespmem:s22], [sflag:$0x5], $0x80, s25, s28, $0xb8;
	[tilespmem:$0x1E300] =	vst v63  }
0xaa: {  	_ =	swait.ge [sflag:s23], $0x4000  }
0xab: {  	[sflag:s23] =	ssyncset.done $0x0  }
0xac: {  	[sflag:s23] =	ssyncadd.s32 $0xFFFFC000  }
0xad: {  	v1 =	vld [tilespmem:$0x13A00];
	_ =	sdelay $0x4  }
0xae: {  	(xrf1) =	vunique.msk.u32 $0xffff, v1;
	_ =	sdelay $0xd  }
0xaf: {  	_, v2, vm0 =	vpop (xrf1);
	_ =	sdelay $0x3  }
0xb0: {  	v2 =	vcvt.s32.f32 v2;
	_ =	sdelay $0x1  }
0xb1: {  	[tilespmem:v1+s6+$0x0] =	vst.idx.add.f32.msk vm0, v2  }
0xb2: {  	v1 =	vld [tilespmem:$0x13A10];
	_ =	sdelay $0x4  }
0xb3: {  	(xrf1) =	vunique.msk.u32 $0xffff, v1;
	_ =	sdelay $0xd  }
0xb4: {  	_, v2, vm0 =	vpop (xrf1);
	_ =	sdelay $0x3  }
0xb5: {  	v2 =	vcvt.s32.f32 v2;
	_ =	sdelay $0x1  }
0xb6: {  	[tilespmem:v1+s6+$0x0] =	vst.idx.add.f32.msk vm0, v2  }
0xb7: {  	v1 =	vld [tilespmem:$0x13A20];
	_ =	sdelay $0x4  }
0xb8: {  	(xrf1) =	vunique.msk.u32 $0xffff, v1;
	_ =	sdelay $0xd  }
0xb9: {  	_, v2, vm0 =	vpop (xrf1);
	_ =	sdelay $0x3  }
0xba: {  	v2 =	vcvt.s32.f32 v2;
	_ =	sdelay $0x1  }
0xbb: {  	[tilespmem:v1+s6+$0x0] =	vst.idx.add.f32.msk vm0, v2  }
0xbc: {  	v1 =	vld [tilespmem:$0x13A30];
	_ =	sdelay $0x4  }
0xbd: {  	(xrf1) =	vunique.msk.u32 $0xffff, v1;
	_ =	sdelay $0xd  }
0xbe: {  	_, v2, vm0 =	vpop (xrf1);
	_ =	sdelay $0x3  }
0xbf: {  	v2 =	vcvt.s32.f32 v2;
	_ =	sdelay $0x1  }
0xc0: {  	[tilespmem:v1+s6+$0x0] =	vst.idx.add.f32.msk vm0, v2  }
0xc1: {  	v1 =	vld [tilespmem:$0x13A40];
	_ =	sdelay $0x4  }
0xc2: {  	(xrf1) =	vunique.msk.u32 $0xffff, v1;
	_ =	sdelay $0xd  }
0xc3: {  	_, v2, vm0 =	vpop (xrf1);
	_ =	sdelay $0x3  }
0xc4: {  	v2 =	vcvt.s32.f32 v2;
	_ =	sdelay $0x1  }
0xc5: {  	[tilespmem:v1+s6+$0x0] =	vst.idx.add.f32.msk vm0, v2  }
0xc6: {  	v1 =	vld [tilespmem:$0x13A50];
	_ =	sdelay $0x4  }
0xc7: {  	(xrf1) =	vunique.msk.u32 $0xffff, v1;
	_ =	sdelay $0xd  }
0xc8: {  	_, v2, vm0 =	vpop (xrf1);
	_ =	sdelay $0x3  }
0xc9: {  	v2 =	vcvt.s32.f32 v2;
	_ =	sdelay $0x1  }
0xca: {  	[tilespmem:v1+s6+$0x0] =	vst.idx.add.f32.msk vm0, v2  }
0xcb: {  	v1 =	vld [tilespmem:$0x13A60];
	_ =	sdelay $0x4  }
0xcc: {  	(xrf1) =	vunique.msk.u32 $0xffff, v1;
	_ =	sdelay $0xd  }
0xcd: {  	_, v2, vm0 =	vpop (xrf1);
	_ =	sdelay $0x3  }
0xce: {  	v2 =	vcvt.s32.f32 v2;
	_ =	sdelay $0x1  }
0xcf: {  	[tilespmem:v1+s6+$0x0] =	vst.idx.add.f32.msk vm0, v2  }
0xd0: {  	v1 =	vld [tilespmem:$0x13A70];
	_ =	sdelay $0x4  }
0xd1: {  	(xrf1) =	vunique.msk.u32 $0xffff, v1;
	_ =	sdelay $0xd  }
0xd2: {  	_, v2, vm0 =	vpop (xrf1);
	_ =	sdelay $0x3  }
0xd3: {  	v2 =	vcvt.s32.f32 v2;
	_ =	sdelay $0x1  }
0xd4: {  	s10 =	sadd.s32 s9, s20;
	[tilespmem:v1+s6+$0x0] =	vst.idx.add.f32.msk vm0, v2  }
0xd5: {  	[tilespmem:s24], [sflag:$0x3] =	stream.linear.gather [hbm4b:s10+s4], $0x80, $0x38;
	[tilespmem:$0x1E300] =	vst v63  }
0xd6: {  	s10 =	sadd.s32 s9, s21  }
0xd7: {  	[tilespmem:s25], [sflag:$0x3] =	stream.linear.gather [hbm4b:s10+s4], $0x80, $0x38;
	[tilespmem:$0x1E300] =	vst v63  }
0xd8: {  	_ =	swait.ge [sflag:s7], $0x4000  }
0xd9: {  	[sflag:s7] =	ssyncset.done $0x0  }
0xda: {  	[sflag:s7] =	ssyncadd.s32 $0xFFFFC000  }
0xdb: {  	_ =	swait.ge [sflag:s26], $0x80  }
0xdc: {  	[sflag:s26] =	ssyncset.done $0x0  }
0xdd: {  	[sflag:s26] =	ssyncadd.s32 $0xFFFFFF80  }
0xde: {  	_ =	swait.ge [sflag:s26], $0x80  }
0xdf: {  	[sflag:s26] =	ssyncset.done $0x0  }
0xe0: {  	[sflag:s26] =	ssyncadd.s32 $0xFFFFFF80  }
0xe1: {  	[tilespmem:s22], [sflag:$0x1] =	stream.indirect.gather [hbm4b:s0+s28], $0x80, s24, s28, $0xb8;
	[tilespmem:$0x1E300] =	vst v63  }
0xe2: {  	_ = 	snop  }
0xe3: {  	[spmem:s2] =	stream.indirect.scatter.add.f32 [tilespmem:s3], [sflag:$0x5], $0x80, s30, s28, $0xb8;
	[tilespmem:$0x1E300] =	vst v63  }
0xe4: {  	_ =	swait.ge [sflag:s23], $0x4000  }
0xe5: {  	[sflag:s23] =	ssyncset.done $0x0  }
0xe6: {  	[sflag:s23] =	ssyncadd.s32 $0xFFFFC000  }
0xe7: {  	v1 =	vld [tilespmem:$0x13A80];
	_ =	sdelay $0x4  }
0xe8: {  	(xrf1) =	vunique.msk.u32 $0xffff, v1;
	_ =	sdelay $0xd  }
0xe9: {  	_, v2, vm0 =	vpop (xrf1);
	_ =	sdelay $0x3  }
0xea: {  	v2 =	vcvt.s32.f32 v2;
	_ =	sdelay $0x1  }
0xeb: {  	[tilespmem:v1+s6+$0x0] =	vst.idx.add.f32.msk vm0, v2  }
0xec: {  	v1 =	vld [tilespmem:$0x13A90];
	_ =	sdelay $0x4  }
0xed: {  	(xrf1) =	vunique.msk.u32 $0xffff, v1;
	_ =	sdelay $0xd  }
0xee: {  	_, v2, vm0 =	vpop (xrf1);
	_ =	sdelay $0x3  }
0xef: {  	v2 =	vcvt.s32.f32 v2;
	_ =	sdelay $0x1  }
0xf0: {  	[tilespmem:v1+s6+$0x0] =	vst.idx.add.f32.msk vm0, v2  }
0xf1: {  	v1 =	vld [tilespmem:$0x13AA0];
	_ =	sdelay $0x4  }
0xf2: {  	(xrf1) =	vunique.msk.u32 $0xffff, v1;
	_ =	sdelay $0xd  }
0xf3: {  	_, v2, vm0 =	vpop (xrf1);
	_ =	sdelay $0x3  }
0xf4: {  	v2 =	vcvt.s32.f32 v2;
	_ =	sdelay $0x1  }
0xf5: {  	[tilespmem:v1+s6+$0x0] =	vst.idx.add.f32.msk vm0, v2  }
0xf6: {  	v1 =	vld [tilespmem:$0x13AB0];
	_ =	sdelay $0x4  }
0xf7: {  	(xrf1) =	vunique.msk.u32 $0xffff, v1;
	_ =	sdelay $0xd  }
0xf8: {  	_, v2, vm0 =	vpop (xrf1);
	_ =	sdelay $0x3  }
0xf9: {  	v2 =	vcvt.s32.f32 v2;
	_ =	sdelay $0x1  }
0xfa: {  	[tilespmem:v1+s6+$0x0] =	vst.idx.add.f32.msk vm0, v2  }
0xfb: {  	v1 =	vld [tilespmem:$0x13AC0];
	_ =	sdelay $0x4  }
0xfc: {  	(xrf1) =	vunique.msk.u32 $0xffff, v1;
	_ =	sdelay $0xd  }
0xfd: {  	_, v2, vm0 =	vpop (xrf1);
	_ =	sdelay $0x3  }
0xfe: {  	v2 =	vcvt.s32.f32 v2;
	_ =	sdelay $0x1  }
0xff: {  	[tilespmem:v1+s6+$0x0] =	vst.idx.add.f32.msk vm0, v2  }
0x100: {  	v1 =	vld [tilespmem:$0x13AD0];
	_ =	sdelay $0x4  }
0x101: {  	(xrf1) =	vunique.msk.u32 $0xffff, v1;
	_ =	sdelay $0xd  }
0x102: {  	_, v2, vm0 =	vpop (xrf1);
	_ =	sdelay $0x3  }
0x103: {  	v2 =	vcvt.s32.f32 v2;
	_ =	sdelay $0x1  }
0x104: {  	[tilespmem:v1+s6+$0x0] =	vst.idx.add.f32.msk vm0, v2  }
0x105: {  	v1 =	vld [tilespmem:$0x13AE0];
	_ =	sdelay $0x4  }
0x106: {  	(xrf1) =	vunique.msk.u32 $0xffff, v1;
	_ =	sdelay $0xd  }
0x107: {  	_, v2, vm0 =	vpop (xrf1);
	_ =	sdelay $0x3  }
0x108: {  	v2 =	vcvt.s32.f32 v2;
	_ =	sdelay $0x1  }
0x109: {  	[tilespmem:v1+s6+$0x0] =	vst.idx.add.f32.msk vm0, v2  }
0x10a: {  	v1 =	vld [tilespmem:$0x13AF0];
	_ =	sdelay $0x4  }
0x10b: {  	(xrf1) =	vunique.msk.u32 $0xffff, v1;
	_ =	sdelay $0xd  }
0x10c: {  	_, v2, vm0 =	vpop (xrf1)  }
0x10d: {  	p1 =	seq.s32 s9, $0x4C0  }
.Ltmp4:
0x10e: {  	_ = 	snop;
	(pc) =	sbr.rel @p1 .LBB2_8-.Ltmp4, $3  }
0x10f: {  	_ = 	snop  }
0x110: {  	v2 =	vcvt.s32.f32 v2;
	_ =	sdelay $0x1  }
0x111: {  	[tilespmem:v1+s6+$0x0] =	vst.idx.add.f32.msk vm0, v2  }
.Ltmp5:
0x112: {  	(pc) =	sbr.rel .LBB2_6-.Ltmp5, $4  }
0x113: {  	s10 =	sadd.s32 s9, s18  }
0x114: {  	[tilespmem:s29], [sflag:$0x4] =	stream.linear.gather [hbm4b:s10+s4], $0x80, $0x38;
	[tilespmem:$0x1E300] =	vst v63  }
0x115: {  	s10 =	sadd.s32 s9, s19;
	s9 =	sadd.s32 $0x20, s9  }
0x116: {  	[tilespmem:s30], [sflag:$0x4] =	stream.linear.gather [hbm4b:s10+s4], $0x80, $0x38;
	[tilespmem:$0x1E300] =	vst v63  }
.LBB2_9:
0x117: {  	_ =	sfence.sel $0x180000  }
0x118: {  	[bflag:$0x0] =	sbarrier.arrive $0xFFFF  }
0x119: {  	_ =	strace $0x90000047  }
0x11a: {  	[bflag:$0x2] =	sbarrier.arrive $0xFFFF  }
0x11b: {  	s0 =	rddreg [dreg:$0x4]  }
0x11c: {  	s0 =	sadd.s32 @!p0 $0x100000, s0  }
0x11d: {  	[sflag:s0] =	ssyncadd.tile.s32 @!p0 $0x1;
	_ =	shalt  }
.Lfunc_end2:
_tile_overlayer_lowered:
.L_overlay_start_2:
0x11e: {  	(tag) =	ssettag $0x2  }
0x11f: {  	s0 =	rddreg [dreg:$0x0];
	s2 =	stileid.u32  }
0x120: {  	s1 =	rddreg [dreg:$0x1];
	p0 =	sne.s32 s2, $0x0  }
0x121: {  	s3 =	rddreg [dreg:$0x2];
	[bflag:$0x3] =	sbarrier.arrive $0xFFFF;
	s2 =	simm.s32 @!p0 $0x1C05  }
0x122: {  	[timem:s3], [sflag:s2] =	dma.local @!p0 [hbm:s0], s1  }
0x123: {  	s0 =	simm.s32 @!p0 $0x5  }
0x124: {  	_ =	swait.ge @!p0 [sflag:s0], s1  }
0x125: {  	s1 =	ssub.s32 @!p0 $0x0, s1;
	[sflag:s0] =	ssyncset.done @!p0 $0x0  }
0x126: {  	[sflag:s0] =	ssyncadd.s32 @!p0 s1  }
0x127: {  	[bflag:$0x3] =	sbarrier.arrive $0xFFFF  }
0x128: {  	_ =	shalt  }

</sc_bundles>
